<compile_context>
chip_gen: v7x
topology: tpu7x:2x2x1
jax: 0.10.2.dev20260603
libtpu: 0.0.44.dev20260713+nightly
codegen_flags: <defaults>
</compile_context>

<pallas_src>
import functools

import jax
import jax.numpy as jnp
import numpy as np
from jax import lax
from jax.experimental import pallas as pl
from jax.experimental.pallas import tpu as pltpu
from jax.experimental.pallas import tpu_sc as plsc

B = 16384
F = 128
NC = 2
NS = 16
NW = NC * NS
BPW = B // NW
CH = 128
NCHUNK = BPW // CH

_GATHER_DNUMS = lax.GatherDimensionNumbers(
    offset_dims=(), collapsed_slice_dims=(0,), start_index_map=(0,))


def _permute(v, idx):
    return lax.gather(v, idx[:, None], _GATHER_DNUMS, (1,),
                      mode=lax.GatherScatterMode.PROMISE_IN_BOUNDS)


def _dot_rows(t_buf, i_buf, out_v, out_base, n):
    lane = lax.iota(jnp.int32, 16)

    def make_row(g):
        def row(k, vec):
            return _one_row(g * 16 + k, vec)
        return row

    def _one_row(b, vec):
        acc = t_buf[b, pl.ds(0, 16)] * i_buf[b, pl.ds(0, 16)]
        for f in range(1, F // 16):
            acc = acc + t_buf[b, pl.ds(f * 16, 16)] * i_buf[b, pl.ds(f * 16, 16)]
        for sh in (8, 4, 2, 1):
            acc = acc + _permute(acc, jnp.bitwise_xor(lane, sh))
        return jnp.where(lane == (b & 15), acc, vec)

    def group(g, carry):
        vec = lax.fori_loop(0, 16, make_row(g),
                            jnp.zeros((16,), jnp.float32), unroll=4)
        out_v[pl.ds(out_base + g * 16, 16)] = vec
        return carry

    lax.fori_loop(0, n // 16, group, 0)


_mesh = plsc.VectorSubcoreMesh(core_axis_name="c", subcore_axis_name="s")


@functools.partial(
    pl.kernel,
    out_type=jax.ShapeDtypeStruct((B,), jnp.float32),
    mesh=_mesh,
    scratch_types=[
        pltpu.VMEM((BPW,), jnp.int32),
        pltpu.VMEM((BPW,), jnp.int32),
        pltpu.VMEM((2, CH, F), jnp.float32),
        pltpu.VMEM((2, CH, F), jnp.float32),
        pltpu.VMEM((BPW,), jnp.float32),
        pltpu.SemaphoreType.DMA,
        pltpu.SemaphoreType.DMA,
        pltpu.SemaphoreType.DMA,
        pltpu.SemaphoreType.DMA,
    ],
)
def _mf_kernel(time_hbm, item_hbm, tf_hbm, if_hbm, out_hbm,
               tidx_v, iidx_v, t_buf, i_buf, out_v,
               sem_t0, sem_i0, sem_t1, sem_i1):
    wid = lax.axis_index("s") * NC + lax.axis_index("c")
    base = wid * BPW
    pltpu.sync_copy(time_hbm.at[pl.ds(base, BPW)], tidx_v)
    pltpu.sync_copy(item_hbm.at[pl.ds(base, BPW)], iidx_v)

    def start(c, slot, sem_t, sem_i):
        pltpu.async_copy(
            tf_hbm.at[tidx_v.at[pl.ds(c * CH, CH)]], t_buf.at[slot], sem_t)
        pltpu.async_copy(
            if_hbm.at[iidx_v.at[pl.ds(c * CH, CH)]], i_buf.at[slot], sem_i)

    def wait(slot, sem_t, sem_i):
        pltpu.make_async_copy(tf_hbm.at[pl.ds(0, CH)], t_buf.at[slot],
                              sem_t).wait()
        pltpu.make_async_copy(if_hbm.at[pl.ds(0, CH)], i_buf.at[slot],
                              sem_i).wait()

    start(0, 0, sem_t0, sem_i0)
    start(1, 1, sem_t1, sem_i1)

    def body(i, carry):
        c = 2 * i
        wait(0, sem_t0, sem_i0)
        _dot_rows(t_buf.at[0], i_buf.at[0], out_v, c * CH, CH)

        @pl.when(c + 2 < NCHUNK)
        def _():
            start(c + 2, 0, sem_t0, sem_i0)

        wait(1, sem_t1, sem_i1)
        _dot_rows(t_buf.at[1], i_buf.at[1], out_v, (c + 1) * CH, CH)

        @pl.when(c + 3 < NCHUNK)
        def _():
            start(c + 3, 1, sem_t1, sem_i1)
        return carry

    lax.fori_loop(0, NCHUNK // 2, body, 0)
    pltpu.sync_copy(out_v, out_hbm.at[pl.ds(base, BPW)])


def kernel(time, item, time_factor, item_factor, lag_factor):
    del lag_factor
    return _mf_kernel(time, item, time_factor, item_factor)

# --- scband reference (transcript-rebuilt; emitter-appended) ---
"""Pipeline reference for scband-temporal-mf-63574105915664 (READ-ONLY COPY).

The authoritative reference and input builder live on the scoring server;
editing this copy changes nothing except your own understanding.
"""

import jax, jax.numpy as jnp
import numpy as np

TIMES = 100000
ITEMS = 100000
FACTORS = 128
LAGS = 10
BATCH = 16384


def setup_inputs(seed: int = 0) -> dict:
    key = jax.random.key(seed)
    k1, k2, k3, k4, k5 = jax.random.split(key, 5)
    time = jax.random.randint(k1, (BATCH,), 0, TIMES, dtype=jnp.int64 if jax.config.jax_enable_x64 else jnp.int32).astype(jnp.int32)
    item = jax.random.randint(k2, (BATCH,), 0, ITEMS, dtype=jnp.int64 if jax.config.jax_enable_x64 else jnp.int32).astype(jnp.int32)
    # Learned parameters (match nn.Embedding default init ~ N(0,1); scaled slightly for stability)
    time_factor = jax.random.normal(k3, (TIMES, FACTORS), dtype=jnp.float32)
    item_factor = jax.random.normal(k4, (ITEMS, FACTORS), dtype=jnp.float32)
    # lag_factor = torch.rand(lags, factors) -> uniform [0,1); unused in forward but is a module parameter
    lag_factor = jax.random.uniform(k5, (LAGS, FACTORS), dtype=jnp.float32)
    return {
        "time": time,
        "item": item,
        "time_factor": time_factor,
        "item_factor": item_factor,
        "lag_factor": lag_factor,
    }


def reference(time, item, time_factor, item_factor, lag_factor):
    # preds = (self.time_factor(time) * self.item_factor(item)).sum(1, keepdim=True)
    t = jnp.take(time_factor, time, axis=0)          # [B, F] embedding gather
    i = jnp.take(item_factor, item, axis=0)          # [B, F] embedding gather
    preds = (t * i).sum(axis=1, keepdims=True)       # [B, 1]
    return preds.squeeze()                            # [B]

if __name__ == "__main__":
    import jax
    _d = setup_inputs()
    print(jax.jit(kernel)(*tuple(_d.values())))

</pallas_src>

<mosaic_0001>
#map = affine_map<(d0, d1) -> (0)>
#map1 = affine_map<(d0, d1) -> (0, 0)>
module attributes {stable_mosaic.version = 14 : i64} {
  func.func @_mf_kernel(%arg0: i32, %arg1: i32, %arg2: memref<16384xi32, #tpu.memory_space<hbm>>, %arg3: memref<16384xi32, #tpu.memory_space<hbm>>, %arg4: memref<100000x128xf32, #tpu.memory_space<hbm>>, %arg5: memref<100000x128xf32, #tpu.memory_space<hbm>>, %arg6: memref<16384xf32, #tpu.memory_space<hbm>>, %arg7: memref<512xi32, #tpu.memory_space<vmem>>, %arg8: memref<512xi32, #tpu.memory_space<vmem>>, %arg9: memref<2x128x128xf32, #tpu.memory_space<vmem>>, %arg10: memref<2x128x128xf32, #tpu.memory_space<vmem>>, %arg11: memref<512xf32, #tpu.memory_space<vmem>>, %arg12: memref<!tpu.dma_semaphore, #tpu.memory_space<semaphore_mem>>, %arg13: memref<!tpu.dma_semaphore, #tpu.memory_space<semaphore_mem>>, %arg14: memref<!tpu.dma_semaphore, #tpu.memory_space<semaphore_mem>>, %arg15: memref<!tpu.dma_semaphore, #tpu.memory_space<semaphore_mem>>) attributes {dimension_semantics = [#tpu.dimension_semantics<core_parallel>, #tpu.dimension_semantics<subcore_parallel>], iteration_bounds = array<i64: 2, 16>, scalar_prefetch = 0 : i64, scratch_operands = 9 : i64, tpu.core_type = #tpu.core_type<sc_vector_subcore>, window_params = [{transform_indices = #map}, {transform_indices = #map}, {transform_indices = #map1}, {transform_indices = #map1}, {transform_indices = #map}]} {
    %mul3A = arith.constant 2 : i32
    %mul3A_0 = arith.muli %arg1, %mul3A : i32
    %add3A = arith.addi %mul3A_0, %arg0 : i32
    %mul3A_1 = arith.constant 512 : i32
    %mul3A_2 = arith.muli %add3A, %mul3A_1 : i32
    "tpu.region"() ({
      %run_scoped3A = tpu.sem_alloc : memref<!tpu.dma_semaphore, #tpu.memory_space<semaphore_mem>>
      %dma_start3A_47 = tpu.memref_slice %arg2[%mul3A_2] : memref<16384xi32, #tpu.memory_space<hbm>> -> memref<512xi32, #tpu.memory_space<hbm>>
      %dma_start3A_48 = tpu.memref_slice %arg2[%mul3A_2] : memref<16384xi32, #tpu.memory_space<hbm>> -> memref<512xi32, #tpu.memory_space<hbm>>
      tpu.enqueue_dma source(%dma_start3A_48 : memref<512xi32, #tpu.memory_space<hbm>>) target(%arg7 : memref<512xi32, #tpu.memory_space<vmem>>) target_semaphore(%run_scoped3A : memref<!tpu.dma_semaphore, #tpu.memory_space<semaphore_mem>>)
      %dma_wait3A = tpu.memref_slice %arg2[%mul3A_2] : memref<16384xi32, #tpu.memory_space<hbm>> -> memref<512xi32, #tpu.memory_space<hbm>>
      %dma_wait3A_49 = tpu.memref_slice %arg2[%mul3A_2] : memref<16384xi32, #tpu.memory_space<hbm>> -> memref<512xi32, #tpu.memory_space<hbm>>
      tpu.wait_dma2 semaphore(%run_scoped3A : memref<!tpu.dma_semaphore, #tpu.memory_space<semaphore_mem>>) src(%dma_wait3A_49 : memref<512xi32, #tpu.memory_space<hbm>>) dst(%arg7 : memref<512xi32, #tpu.memory_space<vmem>>)
      tpu.yield
    }) : () -> ()
    "tpu.region"() ({
      %run_scoped3A = tpu.sem_alloc : memref<!tpu.dma_semaphore, #tpu.memory_space<semaphore_mem>>
      %dma_start3A_47 = tpu.memref_slice %arg3[%mul3A_2] : memref<16384xi32, #tpu.memory_space<hbm>> -> memref<512xi32, #tpu.memory_space<hbm>>
      %dma_start3A_48 = tpu.memref_slice %arg3[%mul3A_2] : memref<16384xi32, #tpu.memory_space<hbm>> -> memref<512xi32, #tpu.memory_space<hbm>>
      tpu.enqueue_dma source(%dma_start3A_48 : memref<512xi32, #tpu.memory_space<hbm>>) target(%arg8 : memref<512xi32, #tpu.memory_space<vmem>>) target_semaphore(%run_scoped3A : memref<!tpu.dma_semaphore, #tpu.memory_space<semaphore_mem>>)
      %dma_wait3A = tpu.memref_slice %arg3[%mul3A_2] : memref<16384xi32, #tpu.memory_space<hbm>> -> memref<512xi32, #tpu.memory_space<hbm>>
      %dma_wait3A_49 = tpu.memref_slice %arg3[%mul3A_2] : memref<16384xi32, #tpu.memory_space<hbm>> -> memref<512xi32, #tpu.memory_space<hbm>>
      tpu.wait_dma2 semaphore(%run_scoped3A : memref<!tpu.dma_semaphore, #tpu.memory_space<semaphore_mem>>) src(%dma_wait3A_49 : memref<512xi32, #tpu.memory_space<hbm>>) dst(%arg8 : memref<512xi32, #tpu.memory_space<vmem>>)
      tpu.yield
    }) : () -> ()
    %dma_start3A = arith.constant 0 : i32
    %dma_start3A_3 = arith.constant 0 : i32
    %dma_start3A_4 = arith.constant 0 : i32
    %dma_start3A_5 = tpu.memref_slice %arg9[%dma_start3A, %dma_start3A_3, %dma_start3A_4] : memref<2x128x128xf32, #tpu.memory_space<vmem>> -> memref<1x128x128xf32, #tpu.memory_space<vmem>>
    %dma_start3A_6 = tpu.memref_squeeze %dma_start3A_5 : memref<1x128x128xf32, #tpu.memory_space<vmem>> -> memref<128x128xf32, #tpu.memory_space<vmem>>
    %dma_start3A_7 = arith.constant 0 : i32
    %dma_start3A_8 = tpu.memref_slice %arg7[%dma_start3A_7] : memref<512xi32, #tpu.memory_space<vmem>> -> memref<128xi32, #tpu.memory_space<vmem>>
    %dma_start3A_9 = arith.constant 0 : i32
    %dma_start3A_10 = arith.constant 0 : i32
    %dma_start3A_11 = tpu.memref_slice %arg4[%dma_start3A_9, %dma_start3A_10] : memref<100000x128xf32, #tpu.memory_space<hbm>> -> memref<100000x128xf32, #tpu.memory_space<hbm>>
    tpu.enqueue_indirect_dma source(%dma_start3A_11 : memref<100000x128xf32, #tpu.memory_space<hbm>>) target(%dma_start3A_6 : memref<128x128xf32, #tpu.memory_space<vmem>>) offsets(%dma_start3A_8 : memref<128xi32, #tpu.memory_space<vmem>>) semaphore(%arg12 : memref<!tpu.dma_semaphore, #tpu.memory_space<semaphore_mem>>)
    %dma_start3A_12 = arith.constant 0 : i32
    %dma_start3A_13 = arith.constant 0 : i32
    %dma_start3A_14 = arith.constant 0 : i32
    %dma_start3A_15 = tpu.memref_slice %arg10[%dma_start3A_12, %dma_start3A_13, %dma_start3A_14] : memref<2x128x128xf32, #tpu.memory_space<vmem>> -> memref<1x128x128xf32, #tpu.memory_space<vmem>>
    %dma_start3A_16 = tpu.memref_squeeze %dma_start3A_15 : memref<1x128x128xf32, #tpu.memory_space<vmem>> -> memref<128x128xf32, #tpu.memory_space<vmem>>
    %dma_start3A_17 = arith.constant 0 : i32
    %dma_start3A_18 = tpu.memref_slice %arg8[%dma_start3A_17] : memref<512xi32, #tpu.memory_space<vmem>> -> memref<128xi32, #tpu.memory_space<vmem>>
    %dma_start3A_19 = arith.constant 0 : i32
    %dma_start3A_20 = arith.constant 0 : i32
    %dma_start3A_21 = tpu.memref_slice %arg5[%dma_start3A_19, %dma_start3A_20] : memref<100000x128xf32, #tpu.memory_space<hbm>> -> memref<100000x128xf32, #tpu.memory_space<hbm>>
    tpu.enqueue_indirect_dma source(%dma_start3A_21 : memref<100000x128xf32, #tpu.memory_space<hbm>>) target(%dma_start3A_16 : memref<128x128xf32, #tpu.memory_space<vmem>>) offsets(%dma_start3A_18 : memref<128xi32, #tpu.memory_space<vmem>>) semaphore(%arg13 : memref<!tpu.dma_semaphore, #tpu.memory_space<semaphore_mem>>)
    %dma_start3A_22 = arith.constant 1 : i32
    %dma_start3A_23 = arith.constant 0 : i32
    %dma_start3A_24 = arith.constant 0 : i32
    %dma_start3A_25 = tpu.memref_slice %arg9[%dma_start3A_22, %dma_start3A_23, %dma_start3A_24] : memref<2x128x128xf32, #tpu.memory_space<vmem>> -> memref<1x128x128xf32, #tpu.memory_space<vmem>>
    %dma_start3A_26 = tpu.memref_squeeze %dma_start3A_25 : memref<1x128x128xf32, #tpu.memory_space<vmem>> -> memref<128x128xf32, #tpu.memory_space<vmem>>
    %dma_start3A_27 = arith.constant 128 : i32
    %dma_start3A_28 = tpu.memref_slice %arg7[%dma_start3A_27] : memref<512xi32, #tpu.memory_space<vmem>> -> memref<128xi32, #tpu.memory_space<vmem>>
    %dma_start3A_29 = arith.constant 0 : i32
    %dma_start3A_30 = arith.constant 0 : i32
    %dma_start3A_31 = tpu.memref_slice %arg4[%dma_start3A_29, %dma_start3A_30] : memref<100000x128xf32, #tpu.memory_space<hbm>> -> memref<100000x128xf32, #tpu.memory_space<hbm>>
    tpu.enqueue_indirect_dma source(%dma_start3A_31 : memref<100000x128xf32, #tpu.memory_space<hbm>>) target(%dma_start3A_26 : memref<128x128xf32, #tpu.memory_space<vmem>>) offsets(%dma_start3A_28 : memref<128xi32, #tpu.memory_space<vmem>>) semaphore(%arg14 : memref<!tpu.dma_semaphore, #tpu.memory_space<semaphore_mem>>)
    %dma_start3A_32 = arith.constant 1 : i32
    %dma_start3A_33 = arith.constant 0 : i32
    %dma_start3A_34 = arith.constant 0 : i32
    %dma_start3A_35 = tpu.memref_slice %arg10[%dma_start3A_32, %dma_start3A_33, %dma_start3A_34] : memref<2x128x128xf32, #tpu.memory_space<vmem>> -> memref<1x128x128xf32, #tpu.memory_space<vmem>>
    %dma_start3A_36 = tpu.memref_squeeze %dma_start3A_35 : memref<1x128x128xf32, #tpu.memory_space<vmem>> -> memref<128x128xf32, #tpu.memory_space<vmem>>
    %dma_start3A_37 = arith.constant 128 : i32
    %dma_start3A_38 = tpu.memref_slice %arg8[%dma_start3A_37] : memref<512xi32, #tpu.memory_space<vmem>> -> memref<128xi32, #tpu.memory_space<vmem>>
    %dma_start3A_39 = arith.constant 0 : i32
    %dma_start3A_40 = arith.constant 0 : i32
    %dma_start3A_41 = tpu.memref_slice %arg5[%dma_start3A_39, %dma_start3A_40] : memref<100000x128xf32, #tpu.memory_space<hbm>> -> memref<100000x128xf32, #tpu.memory_space<hbm>>
    tpu.enqueue_indirect_dma source(%dma_start3A_41 : memref<100000x128xf32, #tpu.memory_space<hbm>>) target(%dma_start3A_36 : memref<128x128xf32, #tpu.memory_space<vmem>>) offsets(%dma_start3A_38 : memref<128xi32, #tpu.memory_space<vmem>>) semaphore(%arg15 : memref<!tpu.dma_semaphore, #tpu.memory_space<semaphore_mem>>)
    %scan3A = arith.constant 0 : i32
    %scan3A_42 = arith.constant 0 : i32
    %scan3A_43 = arith.constant 2 : i32
    %scan3A_44 = arith.addi %scan3A_42, %scan3A_43 : i32
    %scan3A_45 = arith.constant 1 : i32
    scf.for %scan3A_47 = %scan3A_42 to %scan3A_44 step %scan3A_45  : i32 {
      %mul3A_48 = arith.constant 2 : i32
      %mul3A_49 = arith.muli %mul3A_48, %scan3A_47 : i32
      %dma_wait3A = arith.constant 0 : i32
      %dma_wait3A_50 = arith.constant 0 : i32
      %dma_wait3A_51 = arith.constant 0 : i32
      %dma_wait3A_52 = tpu.memref_slice %arg9[%dma_wait3A, %dma_wait3A_50, %dma_wait3A_51] : memref<2x128x128xf32, #tpu.memory_space<vmem>> -> memref<1x128x128xf32, #tpu.memory_space<vmem>>
      %dma_wait3A_53 = tpu.memref_squeeze %dma_wait3A_52 : memref<1x128x128xf32, #tpu.memory_space<vmem>> -> memref<128x128xf32, #tpu.memory_space<vmem>>
      %dma_wait3A_54 = arith.constant 0 : i32
      %dma_wait3A_55 = arith.constant 0 : i32
      %dma_wait3A_56 = tpu.memref_slice %arg4[%dma_wait3A_54, %dma_wait3A_55] : memref<100000x128xf32, #tpu.memory_space<hbm>> -> memref<128x128xf32, #tpu.memory_space<hbm>>
      %dma_wait3A_57 = arith.constant 0 : i32
      %dma_wait3A_58 = arith.constant 0 : i32
      %dma_wait3A_59 = tpu.memref_slice %arg9[%dma_wait3A, %dma_wait3A_57, %dma_wait3A_58] : memref<2x128x128xf32, #tpu.memory_space<vmem>> -> memref<1x128x128xf32, #tpu.memory_space<vmem>>
      %dma_wait3A_60 = tpu.memref_squeeze %dma_wait3A_59 : memref<1x128x128xf32, #tpu.memory_space<vmem>> -> memref<128x128xf32, #tpu.memory_space<vmem>>
      %dma_wait3A_61 = arith.constant 0 : i32
      %dma_wait3A_62 = arith.constant 0 : i32
      %dma_wait3A_63 = tpu.memref_slice %arg4[%dma_wait3A_61, %dma_wait3A_62] : memref<100000x128xf32, #tpu.memory_space<hbm>> -> memref<128x128xf32, #tpu.memory_space<hbm>>
      tpu.wait_dma2 semaphore(%arg12 : memref<!tpu.dma_semaphore, #tpu.memory_space<semaphore_mem>>) src(%dma_wait3A_63 : memref<128x128xf32, #tpu.memory_space<hbm>>) dst(%dma_wait3A_60 : memref<128x128xf32, #tpu.memory_space<vmem>>)
      %dma_wait3A_64 = arith.constant 0 : i32
      %dma_wait3A_65 = arith.constant 0 : i32
      %dma_wait3A_66 = arith.constant 0 : i32
      %dma_wait3A_67 = tpu.memref_slice %arg10[%dma_wait3A_64, %dma_wait3A_65, %dma_wait3A_66] : memref<2x128x128xf32, #tpu.memory_space<vmem>> -> memref<1x128x128xf32, #tpu.memory_space<vmem>>
      %dma_wait3A_68 = tpu.memref_squeeze %dma_wait3A_67 : memref<1x128x128xf32, #tpu.memory_space<vmem>> -> memref<128x128xf32, #tpu.memory_space<vmem>>
      %dma_wait3A_69 = arith.constant 0 : i32
      %dma_wait3A_70 = arith.constant 0 : i32
      %dma_wait3A_71 = tpu.memref_slice %arg5[%dma_wait3A_69, %dma_wait3A_70] : memref<100000x128xf32, #tpu.memory_space<hbm>> -> memref<128x128xf32, #tpu.memory_space<hbm>>
      %dma_wait3A_72 = arith.constant 0 : i32
      %dma_wait3A_73 = arith.constant 0 : i32
      %dma_wait3A_74 = tpu.memref_slice %arg10[%dma_wait3A_64, %dma_wait3A_72, %dma_wait3A_73] : memref<2x128x128xf32, #tpu.memory_space<vmem>> -> memref<1x128x128xf32, #tpu.memory_space<vmem>>
      %dma_wait3A_75 = tpu.memref_squeeze %dma_wait3A_74 : memref<1x128x128xf32, #tpu.memory_space<vmem>> -> memref<128x128xf32, #tpu.memory_space<vmem>>
      %dma_wait3A_76 = arith.constant 0 : i32
      %dma_wait3A_77 = arith.constant 0 : i32
      %dma_wait3A_78 = tpu.memref_slice %arg5[%dma_wait3A_76, %dma_wait3A_77] : memref<100000x128xf32, #tpu.memory_space<hbm>> -> memref<128x128xf32, #tpu.memory_space<hbm>>
      tpu.wait_dma2 semaphore(%arg13 : memref<!tpu.dma_semaphore, #tpu.memory_space<semaphore_mem>>) src(%dma_wait3A_78 : memref<128x128xf32, #tpu.memory_space<hbm>>) dst(%dma_wait3A_75 : memref<128x128xf32, #tpu.memory_space<vmem>>)
      %mul3A_79 = arith.constant 128 : i32
      %mul3A_80 = arith.muli %mul3A_49, %mul3A_79 : i32
      %iota3A = tpu.iota {dimensions = array<i32: 0>} : vector<16xi32>
      %scan3A_81 = arith.constant 0 : i32
      %scan3A_82 = arith.constant 0 : i32
      %scan3A_83 = arith.constant 0 : i32
      %scan3A_84 = arith.constant 0 : i32
      %scan3A_85 = arith.constant 8 : i32
      %scan3A_86 = arith.addi %scan3A_84, %scan3A_85 : i32
      %scan3A_87 = arith.constant 1 : i32
      scf.for %scan3A_143 = %scan3A_84 to %scan3A_86 step %scan3A_87  : i32 {
        %broadcast_in_dim3A = arith.constant 0.000000e+00 : f32
        %broadcast_in_dim3A_144 = vector.broadcast %broadcast_in_dim3A : f32 to vector<16xf32>
        %scan3A_145 = arith.constant 0 : i32
        %scan3A_146 = arith.constant 16 : i32
        %scan3A_147 = arith.addi %scan3A_145, %scan3A_146 : i32
        %scan3A_148 = arith.constant 4 : i32
        %scan3A_149 = scf.for %scan3A_157 = %scan3A_145 to %scan3A_147 step %scan3A_148 iter_args(%scan3A_158 = %broadcast_in_dim3A_144) -> (vector<16xf32>)  : i32 {
          %mul3A_159 = arith.constant 16 : i32
          %mul3A_160 = arith.muli %scan3A_143, %mul3A_159 : i32
          %add3A_161 = arith.addi %mul3A_160, %scan3A_157 : i32
          %get3A = arith.constant 0 : i32
          %get3A_162 = arith.constant 0 : i32
          %get3A_163 = tpu.memref_slice %arg9[%scan3A_82, %get3A, %get3A_162] : memref<2x128x128xf32, #tpu.memory_space<vmem>> -> memref<1x128x128xf32, #tpu.memory_space<vmem>>
          %get3A_164 = tpu.memref_squeeze %get3A_163 : memref<1x128x128xf32, #tpu.memory_space<vmem>> -> memref<128x128xf32, #tpu.memory_space<vmem>>
          %get3A_165 = arith.index_cast %add3A_161 : i32 to index
          %get3A_166 = arith.constant 0 : index
          %get3A_167 = tpu.vector_load %get3A_164[%get3A_165, %get3A_166] {strides = array<i32>} : memref<128x128xf32, #tpu.memory_space<vmem>>, vector<1x16xf32>,
          %get3A_168 = vector.shape_cast %get3A_167 : vector<1x16xf32> to vector<16xf32>
          %get3A_169 = arith.constant 0 : i32
          %get3A_170 = arith.constant 0 : i32
          %get3A_171 = tpu.memref_slice %arg10[%scan3A_83, %get3A_169, %get3A_170] : memref<2x128x128xf32, #tpu.memory_space<vmem>> -> memref<1x128x128xf32, #tpu.memory_space<vmem>>
          %get3A_172 = tpu.memref_squeeze %get3A_171 : memref<1x128x128xf32, #tpu.memory_space<vmem>> -> memref<128x128xf32, #tpu.memory_space<vmem>>
          %get3A_173 = arith.index_cast %add3A_161 : i32 to index
          %get3A_174 = arith.constant 0 : index
          %get3A_175 = tpu.vector_load %get3A_172[%get3A_173, %get3A_174] {strides = array<i32>} : memref<128x128xf32, #tpu.memory_space<vmem>>, vector<1x16xf32>,
          %get3A_176 = vector.shape_cast %get3A_175 : vector<1x16xf32> to vector<16xf32>
          %mul3A_177 = arith.mulf %get3A_168, %get3A_176 : vector<16xf32>
          %get3A_178 = arith.constant 0 : i32
          %get3A_179 = arith.constant 0 : i32
          %get3A_180 = tpu.memref_slice %arg9[%scan3A_82, %get3A_178, %get3A_179] : memref<2x128x128xf32, #tpu.memory_space<vmem>> -> memref<1x128x128xf32, #tpu.memory_space<vmem>>
          %get3A_181 = tpu.memref_squeeze %get3A_180 : memref<1x128x128xf32, #tpu.memory_space<vmem>> -> memref<128x128xf32, #tpu.memory_space<vmem>>
          %get3A_182 = arith.index_cast %add3A_161 : i32 to index
          %get3A_183 = arith.constant 16 : index
          %get3A_184 = tpu.vector_load %get3A_181[%get3A_182, %get3A_183] {strides = array<i32>} : memref<128x128xf32, #tpu.memory_space<vmem>>, vector<1x16xf32>,
          %get3A_185 = vector.shape_cast %get3A_184 : vector<1x16xf32> to vector<16xf32>
          %get3A_186 = arith.constant 0 : i32
          %get3A_187 = arith.constant 0 : i32
          %get3A_188 = tpu.memref_slice %arg10[%scan3A_83, %get3A_186, %get3A_187] : memref<2x128x128xf32, #tpu.memory_space<vmem>> -> memref<1x128x128xf32, #tpu.memory_space<vmem>>
          %get3A_189 = tpu.memref_squeeze %get3A_188 : memref<1x128x128xf32, #tpu.memory_space<vmem>> -> memref<128x128xf32, #tpu.memory_space<vmem>>
          %get3A_190 = arith.index_cast %add3A_161 : i32 to index
          %get3A_191 = arith.constant 16 : index
          %get3A_192 = tpu.vector_load %get3A_189[%get3A_190, %get3A_191] {strides = array<i32>} : memref<128x128xf32, #tpu.memory_space<vmem>>, vector<1x16xf32>,
          %get3A_193 = vector.shape_cast %get3A_192 : vector<1x16xf32> to vector<16xf32>
          %mul3A_194 = arith.mulf %get3A_185, %get3A_193 : vector<16xf32>
          %add3A_195 = arith.addf %mul3A_177, %mul3A_194 : vector<16xf32>
          %get3A_196 = arith.constant 0 : i32
          %get3A_197 = arith.constant 0 : i32
          %get3A_198 = tpu.memref_slice %arg9[%scan3A_82, %get3A_196, %get3A_197] : memref<2x128x128xf32, #tpu.memory_space<vmem>> -> memref<1x128x128xf32, #tpu.memory_space<vmem>>
          %get3A_199 = tpu.memref_squeeze %get3A_198 : memref<1x128x128xf32, #tpu.memory_space<vmem>> -> memref<128x128xf32, #tpu.memory_space<vmem>>
          %get3A_200 = arith.index_cast %add3A_161 : i32 to index
          %get3A_201 = arith.constant 32 : index
          %get3A_202 = tpu.vector_load %get3A_199[%get3A_200, %get3A_201] {strides = array<i32>} : memref<128x128xf32, #tpu.memory_space<vmem>>, vector<1x16xf32>,
          %get3A_203 = vector.shape_cast %get3A_202 : vector<1x16xf32> to vector<16xf32>
          %get3A_204 = arith.constant 0 : i32
          %get3A_205 = arith.constant 0 : i32
          %get3A_206 = tpu.memref_slice %arg10[%scan3A_83, %get3A_204, %get3A_205] : memref<2x128x128xf32, #tpu.memory_space<vmem>> -> memref<1x128x128xf32, #tpu.memory_space<vmem>>
          %get3A_207 = tpu.memref_squeeze %get3A_206 : memref<1x128x128xf32, #tpu.memory_space<vmem>> -> memref<128x128xf32, #tpu.memory_space<vmem>>
          %get3A_208 = arith.index_cast %add3A_161 : i32 to index
          %get3A_209 = arith.constant 32 : index
          %get3A_210 = tpu.vector_load %get3A_207[%get3A_208, %get3A_209] {strides = array<i32>} : memref<128x128xf32, #tpu.memory_space<vmem>>, vector<1x16xf32>,
          %get3A_211 = vector.shape_cast %get3A_210 : vector<1x16xf32> to vector<16xf32>
          %mul3A_212 = arith.mulf %get3A_203, %get3A_211 : vector<16xf32>
          %add3A_213 = arith.addf %add3A_195, %mul3A_212 : vector<16xf32>
          %get3A_214 = arith.constant 0 : i32
          %get3A_215 = arith.constant 0 : i32
          %get3A_216 = tpu.memref_slice %arg9[%scan3A_82, %get3A_214, %get3A_215] : memref<2x128x128xf32, #tpu.memory_space<vmem>> -> memref<1x128x128xf32, #tpu.memory_space<vmem>>
          %get3A_217 = tpu.memref_squeeze %get3A_216 : memref<1x128x128xf32, #tpu.memory_space<vmem>> -> memref<128x128xf32, #tpu.memory_space<vmem>>
          %get3A_218 = arith.index_cast %add3A_161 : i32 to index
          %get3A_219 = arith.constant 48 : index
          %get3A_220 = tpu.vector_load %get3A_217[%get3A_218, %get3A_219] {strides = array<i32>} : memref<128x128xf32, #tpu.memory_space<vmem>>, vector<1x16xf32>,
          %get3A_221 = vector.shape_cast %get3A_220 : vector<1x16xf32> to vector<16xf32>
          %get3A_222 = arith.constant 0 : i32
          %get3A_223 = arith.constant 0 : i32
          %get3A_224 = tpu.memref_slice %arg10[%scan3A_83, %get3A_222, %get3A_223] : memref<2x128x128xf32, #tpu.memory_space<vmem>> -> memref<1x128x128xf32, #tpu.memory_space<vmem>>
          %get3A_225 = tpu.memref_squeeze %get3A_224 : memref<1x128x128xf32, #tpu.memory_space<vmem>> -> memref<128x128xf32, #tpu.memory_space<vmem>>
          %get3A_226 = arith.index_cast %add3A_161 : i32 to index
          %get3A_227 = arith.constant 48 : index
          %get3A_228 = tpu.vector_load %get3A_225[%get3A_226, %get3A_227] {strides = array<i32>} : memref<128x128xf32, #tpu.memory_space<vmem>>, vector<1x16xf32>,
          %get3A_229 = vector.shape_cast %get3A_228 : vector<1x16xf32> to vector<16xf32>
          %mul3A_230 = arith.mulf %get3A_221, %get3A_229 : vector<16xf32>
          %add3A_231 = arith.addf %add3A_213, %mul3A_230 : vector<16xf32>
          %get3A_232 = arith.constant 0 : i32
          %get3A_233 = arith.constant 0 : i32
          %get3A_234 = tpu.memref_slice %arg9[%scan3A_82, %get3A_232, %get3A_233] : memref<2x128x128xf32, #tpu.memory_space<vmem>> -> memref<1x128x128xf32, #tpu.memory_space<vmem>>
          %get3A_235 = tpu.memref_squeeze %get3A_234 : memref<1x128x128xf32, #tpu.memory_space<vmem>> -> memref<128x128xf32, #tpu.memory_space<vmem>>
          %get3A_236 = arith.index_cast %add3A_161 : i32 to index
          %get3A_237 = arith.constant 64 : index
          %get3A_238 = tpu.vector_load %get3A_235[%get3A_236, %get3A_237] {strides = array<i32>} : memref<128x128xf32, #tpu.memory_space<vmem>>, vector<1x16xf32>,
          %get3A_239 = vector.shape_cast %get3A_238 : vector<1x16xf32> to vector<16xf32>
          %get3A_240 = arith.constant 0 : i32
          %get3A_241 = arith.constant 0 : i32
          %get3A_242 = tpu.memref_slice %arg10[%scan3A_83, %get3A_240, %get3A_241] : memref<2x128x128xf32, #tpu.memory_space<vmem>> -> memref<1x128x128xf32, #tpu.memory_space<vmem>>
          %get3A_243 = tpu.memref_squeeze %get3A_242 : memref<1x128x128xf32, #tpu.memory_space<vmem>> -> memref<128x128xf32, #tpu.memory_space<vmem>>
          %get3A_244 = arith.index_cast %add3A_161 : i32 to index
          %get3A_245 = arith.constant 64 : index
          %get3A_246 = tpu.vector_load %get3A_243[%get3A_244, %get3A_245] {strides = array<i32>} : memref<128x128xf32, #tpu.memory_space<vmem>>, vector<1x16xf32>,
          %get3A_247 = vector.shape_cast %get3A_246 : vector<1x16xf32> to vector<16xf32>
          %mul3A_248 = arith.mulf %get3A_239, %get3A_247 : vector<16xf32>
          %add3A_249 = arith.addf %add3A_231, %mul3A_248 : vector<16xf32>
          %get3A_250 = arith.constant 0 : i32
          %get3A_251 = arith.constant 0 : i32
          %get3A_252 = tpu.memref_slice %arg9[%scan3A_82, %get3A_250, %get3A_251] : memref<2x128x128xf32, #tpu.memory_space<vmem>> -> memref<1x128x128xf32, #tpu.memory_space<vmem>>
          %get3A_253 = tpu.memref_squeeze %get3A_252 : memref<1x128x128xf32, #tpu.memory_space<vmem>> -> memref<128x128xf32, #tpu.memory_space<vmem>>
          %get3A_254 = arith.index_cast %add3A_161 : i32 to index
          %get3A_255 = arith.constant 80 : index
          %get3A_256 = tpu.vector_load %get3A_253[%get3A_254, %get3A_255] {strides = array<i32>} : memref<128x128xf32, #tpu.memory_space<vmem>>, vector<1x16xf32>,
          %get3A_257 = vector.shape_cast %get3A_256 : vector<1x16xf32> to vector<16xf32>
          %get3A_258 = arith.constant 0 : i32
          %get3A_259 = arith.constant 0 : i32
          %get3A_260 = tpu.memref_slice %arg10[%scan3A_83, %get3A_258, %get3A_259] : memref<2x128x128xf32, #tpu.memory_space<vmem>> -> memref<1x128x128xf32, #tpu.memory_space<vmem>>
          %get3A_261 = tpu.memref_squeeze %get3A_260 : memref<1x128x128xf32, #tpu.memory_space<vmem>> -> memref<128x128xf32, #tpu.memory_space<vmem>>
          %get3A_262 = arith.index_cast %add3A_161 : i32 to index
          %get3A_263 = arith.constant 80 : index
          %get3A_264 = tpu.vector_load %get3A_261[%get3A_262, %get3A_263] {strides = array<i32>} : memref<128x128xf32, #tpu.memory_space<vmem>>, vector<1x16xf32>,
          %get3A_265 = vector.shape_cast %get3A_264 : vector<1x16xf32> to vector<16xf32>
          %mul3A_266 = arith.mulf %get3A_257, %get3A_265 : vector<16xf32>
          %add3A_267 = arith.addf %add3A_249, %mul3A_266 : vector<16xf32>
          %get3A_268 = arith.constant 0 : i32
          %get3A_269 = arith.constant 0 : i32
          %get3A_270 = tpu.memref_slice %arg9[%scan3A_82, %get3A_268, %get3A_269] : memref<2x128x128xf32, #tpu.memory_space<vmem>> -> memref<1x128x128xf32, #tpu.memory_space<vmem>>
          %get3A_271 = tpu.memref_squeeze %get3A_270 : memref<1x128x128xf32, #tpu.memory_space<vmem>> -> memref<128x128xf32, #tpu.memory_space<vmem>>
          %get3A_272 = arith.index_cast %add3A_161 : i32 to index
          %get3A_273 = arith.constant 96 : index
          %get3A_274 = tpu.vector_load %get3A_271[%get3A_272, %get3A_273] {strides = array<i32>} : memref<128x128xf32, #tpu.memory_space<vmem>>, vector<1x16xf32>,
          %get3A_275 = vector.shape_cast %get3A_274 : vector<1x16xf32> to vector<16xf32>
          %get3A_276 = arith.constant 0 : i32
          %get3A_277 = arith.constant 0 : i32
          %get3A_278 = tpu.memref_slice %arg10[%scan3A_83, %get3A_276, %get3A_277] : memref<2x128x128xf32, #tpu.memory_space<vmem>> -> memref<1x128x128xf32, #tpu.memory_space<vmem>>
          %get3A_279 = tpu.memref_squeeze %get3A_278 : memref<1x128x128xf32, #tpu.memory_space<vmem>> -> memref<128x128xf32, #tpu.memory_space<vmem>>
          %get3A_280 = arith.index_cast %add3A_161 : i32 to index
          %get3A_281 = arith.constant 96 : index
          %get3A_282 = tpu.vector_load %get3A_279[%get3A_280, %get3A_281] {strides = array<i32>} : memref<128x128xf32, #tpu.memory_space<vmem>>, vector<1x16xf32>,
          %get3A_283 = vector.shape_cast %get3A_282 : vector<1x16xf32> to vector<16xf32>
          %mul3A_284 = arith.mulf %get3A_275, %get3A_283 : vector<16xf32>
          %add3A_285 = arith.addf %add3A_267, %mul3A_284 : vector<16xf32>
          %get3A_286 = arith.constant 0 : i32
          %get3A_287 = arith.constant 0 : i32
          %get3A_288 = tpu.memref_slice %arg9[%scan3A_82, %get3A_286, %get3A_287] : memref<2x128x128xf32, #tpu.memory_space<vmem>> -> memref<1x128x128xf32, #tpu.memory_space<vmem>>
          %get3A_289 = tpu.memref_squeeze %get3A_288 : memref<1x128x128xf32, #tpu.memory_space<vmem>> -> memref<128x128xf32, #tpu.memory_space<vmem>>
          %get3A_290 = arith.index_cast %add3A_161 : i32 to index
          %get3A_291 = arith.constant 112 : index
          %get3A_292 = tpu.vector_load %get3A_289[%get3A_290, %get3A_291] {strides = array<i32>} : memref<128x128xf32, #tpu.memory_space<vmem>>, vector<1x16xf32>,
          %get3A_293 = vector.shape_cast %get3A_292 : vector<1x16xf32> to vector<16xf32>
          %get3A_294 = arith.constant 0 : i32
          %get3A_295 = arith.constant 0 : i32
          %get3A_296 = tpu.memref_slice %arg10[%scan3A_83, %get3A_294, %get3A_295] : memref<2x128x128xf32, #tpu.memory_space<vmem>> -> memref<1x128x128xf32, #tpu.memory_space<vmem>>
          %get3A_297 = tpu.memref_squeeze %get3A_296 : memref<1x128x128xf32, #tpu.memory_space<vmem>> -> memref<128x128xf32, #tpu.memory_space<vmem>>
          %get3A_298 = arith.index_cast %add3A_161 : i32 to index
          %get3A_299 = arith.constant 112 : index
          %get3A_300 = tpu.vector_load %get3A_297[%get3A_298, %get3A_299] {strides = array<i32>} : memref<128x128xf32, #tpu.memory_space<vmem>>, vector<1x16xf32>,
          %get3A_301 = vector.shape_cast %get3A_300 : vector<1x16xf32> to vector<16xf32>
          %mul3A_302 = arith.mulf %get3A_293, %get3A_301 : vector<16xf32>
          %add3A_303 = arith.addf %add3A_285, %mul3A_302 : vector<16xf32>
          %xor3A = arith.constant 8 : i32
          %xor3A_304 = vector.broadcast %xor3A : i32 to vector<16xi32>
          %xor3A_305 = arith.xori %iota3A, %xor3A_304 : vector<16xi32>
          %broadcast_in_dim3A_306 = vector.shape_cast %xor3A_305 : vector<16xi32> to vector<16x1xi32>
          %gather3A = vector.shape_cast %broadcast_in_dim3A_306 : vector<16x1xi32> to vector<16xi32>
          %gather3A_307 = tpu.dynamic_gather %add3A_303[%gather3A] in [0] : vector<16xf32>, vector<16xi32> -> vector<16xf32>
          %add3A_308 = arith.addf %add3A_303, %gather3A_307 : vector<16xf32>
          %xor3A_309 = arith.constant 4 : i32
          %xor3A_310 = vector.broadcast %xor3A_309 : i32 to vector<16xi32>
          %xor3A_311 = arith.xori %iota3A, %xor3A_310 : vector<16xi32>
          %broadcast_in_dim3A_312 = vector.shape_cast %xor3A_311 : vector<16xi32> to vector<16x1xi32>
          %gather3A_313 = vector.shape_cast %broadcast_in_dim3A_312 : vector<16x1xi32> to vector<16xi32>
          %gather3A_314 = tpu.dynamic_gather %add3A_308[%gather3A_313] in [0] : vector<16xf32>, vector<16xi32> -> vector<16xf32>
          %add3A_315 = arith.addf %add3A_308, %gather3A_314 : vector<16xf32>
          %xor3A_316 = arith.constant 2 : i32
          %xor3A_317 = vector.broadcast %xor3A_316 : i32 to vector<16xi32>
          %xor3A_318 = arith.xori %iota3A, %xor3A_317 : vector<16xi32>
          %broadcast_in_dim3A_319 = vector.shape_cast %xor3A_318 : vector<16xi32> to vector<16x1xi32>
          %gather3A_320 = vector.shape_cast %broadcast_in_dim3A_319 : vector<16x1xi32> to vector<16xi32>
          %gather3A_321 = tpu.dynamic_gather %add3A_315[%gather3A_320] in [0] : vector<16xf32>, vector<16xi32> -> vector<16xf32>
          %add3A_322 = arith.addf %add3A_315, %gather3A_321 : vector<16xf32>
          %xor3A_323 = arith.constant 1 : i32
          %xor3A_324 = vector.broadcast %xor3A_323 : i32 to vector<16xi32>
          %xor3A_325 = arith.xori %iota3A, %xor3A_324 : vector<16xi32>
          %broadcast_in_dim3A_326 = vector.shape_cast %xor3A_325 : vector<16xi32> to vector<16x1xi32>
          %gather3A_327 = vector.shape_cast %broadcast_in_dim3A_326 : vector<16x1xi32> to vector<16xi32>
          %gather3A_328 = tpu.dynamic_gather %add3A_322[%gather3A_327] in [0] : vector<16xf32>, vector<16xi32> -> vector<16xf32>
          %add3A_329 = arith.addf %add3A_322, %gather3A_328 : vector<16xf32>
          %and3A = arith.constant 15 : i32
          %and3A_330 = arith.andi %add3A_161, %and3A : i32
          %eq3A = vector.broadcast %and3A_330 : i32 to vector<16xi32>
          %eq3A_331 = arith.cmpi eq, %iota3A, %eq3A : vector<16xi32>
          %select_n3A = arith.select %eq3A_331, %add3A_329, %scan3A_158 : vector<16xi1>, vector<16xf32>
          %scan3A_332 = arith.constant 1 : i32
          %scan3A_333 = arith.addi %scan3A_157, %scan3A_332 : i32
          %mul3A_334 = arith.constant 16 : i32
          %mul3A_335 = arith.muli %scan3A_143, %mul3A_334 : i32
          %add3A_336 = arith.addi %mul3A_335, %scan3A_333 : i32
          %get3A_337 = arith.constant 0 : i32
          %get3A_338 = arith.constant 0 : i32
          %get3A_339 = tpu.memref_slice %arg9[%scan3A_82, %get3A_337, %get3A_338] : memref<2x128x128xf32, #tpu.memory_space<vmem>> -> memref<1x128x128xf32, #tpu.memory_space<vmem>>
          %get3A_340 = tpu.memref_squeeze %get3A_339 : memref<1x128x128xf32, #tpu.memory_space<vmem>> -> memref<128x128xf32, #tpu.memory_space<vmem>>
          %get3A_341 = arith.index_cast %add3A_336 : i32 to index
          %get3A_342 = arith.constant 0 : index
          %get3A_343 = tpu.vector_load %get3A_340[%get3A_341, %get3A_342] {strides = array<i32>} : memref<128x128xf32, #tpu.memory_space<vmem>>, vector<1x16xf32>,
          %get3A_344 = vector.shape_cast %get3A_343 : vector<1x16xf32> to vector<16xf32>
          %get3A_345 = arith.constant 0 : i32
          %get3A_346 = arith.constant 0 : i32
          %get3A_347 = tpu.memref_slice %arg10[%scan3A_83, %get3A_345, %get3A_346] : memref<2x128x128xf32, #tpu.memory_space<vmem>> -> memref<1x128x128xf32, #tpu.memory_space<vmem>>
          %get3A_348 = tpu.memref_squeeze %get3A_347 : memref<1x128x128xf32, #tpu.memory_space<vmem>> -> memref<128x128xf32, #tpu.memory_space<vmem>>
          %get3A_349 = arith.index_cast %add3A_336 : i32 to index
          %get3A_350 = arith.constant 0 : index
          %get3A_351 = tpu.vector_load %get3A_348[%get3A_349, %get3A_350] {strides = array<i32>} : memref<128x128xf32, #tpu.memory_space<vmem>>, vector<1x16xf32>,
          %get3A_352 = vector.shape_cast %get3A_351 : vector<1x16xf32> to vector<16xf32>
          %mul3A_353 = arith.mulf %get3A_344, %get3A_352 : vector<16xf32>
          %get3A_354 = arith.constant 0 : i32
          %get3A_355 = arith.constant 0 : i32
          %get3A_356 = tpu.memref_slice %arg9[%scan3A_82, %get3A_354, %get3A_355] : memref<2x128x128xf32, #tpu.memory_space<vmem>> -> memref<1x128x128xf32, #tpu.memory_space<vmem>>
          %get3A_357 = tpu.memref_squeeze %get3A_356 : memref<1x128x128xf32, #tpu.memory_space<vmem>> -> memref<128x128xf32, #tpu.memory_space<vmem>>
          %get3A_358 = arith.index_cast %add3A_336 : i32 to index
          %get3A_359 = arith.constant 16 : index
          %get3A_360 = tpu.vector_load %get3A_357[%get3A_358, %get3A_359] {strides = array<i32>} : memref<128x128xf32, #tpu.memory_space<vmem>>, vector<1x16xf32>,
          %get3A_361 = vector.shape_cast %get3A_360 : vector<1x16xf32> to vector<16xf32>
          %get3A_362 = arith.constant 0 : i32
          %get3A_363 = arith.constant 0 : i32
          %get3A_364 = tpu.memref_slice %arg10[%scan3A_83, %get3A_362, %get3A_363] : memref<2x128x128xf32, #tpu.memory_space<vmem>> -> memref<1x128x128xf32, #tpu.memory_space<vmem>>
          %get3A_365 = tpu.memref_squeeze %get3A_364 : memref<1x128x128xf32, #tpu.memory_space<vmem>> -> memref<128x128xf32, #tpu.memory_space<vmem>>
          %get3A_366 = arith.index_cast %add3A_336 : i32 to index
          %get3A_367 = arith.constant 16 : index
          %get3A_368 = tpu.vector_load %get3A_365[%get3A_366, %get3A_367] {strides = array<i32>} : memref<128x128xf32, #tpu.memory_space<vmem>>, vector<1x16xf32>,
          %get3A_369 = vector.shape_cast %get3A_368 : vector<1x16xf32> to vector<16xf32>
          %mul3A_370 = arith.mulf %get3A_361, %get3A_369 : vector<16xf32>
          %add3A_371 = arith.addf %mul3A_353, %mul3A_370 : vector<16xf32>
          %get3A_372 = arith.constant 0 : i32
          %get3A_373 = arith.constant 0 : i32
          %get3A_374 = tpu.memref_slice %arg9[%scan3A_82, %get3A_372, %get3A_373] : memref<2x128x128xf32, #tpu.memory_space<vmem>> -> memref<1x128x128xf32, #tpu.memory_space<vmem>>
          %get3A_375 = tpu.memref_squeeze %get3A_374 : memref<1x128x128xf32, #tpu.memory_space<vmem>> -> memref<128x128xf32, #tpu.memory_space<vmem>>
          %get3A_376 = arith.index_cast %add3A_336 : i32 to index
          %get3A_377 = arith.constant 32 : index
          %get3A_378 = tpu.vector_load %get3A_375[%get3A_376, %get3A_377] {strides = array<i32>} : memref<128x128xf32, #tpu.memory_space<vmem>>, vector<1x16xf32>,
          %get3A_379 = vector.shape_cast %get3A_378 : vector<1x16xf32> to vector<16xf32>
          %get3A_380 = arith.constant 0 : i32
          %get3A_381 = arith.constant 0 : i32
          %get3A_382 = tpu.memref_slice %arg10[%scan3A_83, %get3A_380, %get3A_381] : memref<2x128x128xf32, #tpu.memory_space<vmem>> -> memref<1x128x128xf32, #tpu.memory_space<vmem>>
          %get3A_383 = tpu.memref_squeeze %get3A_382 : memref<1x128x128xf32, #tpu.memory_space<vmem>> -> memref<128x128xf32, #tpu.memory_space<vmem>>
          %get3A_384 = arith.index_cast %add3A_336 : i32 to index
          %get3A_385 = arith.constant 32 : index
          %get3A_386 = tpu.vector_load %get3A_383[%get3A_384, %get3A_385] {strides = array<i32>} : memref<128x128xf32, #tpu.memory_space<vmem>>, vector<1x16xf32>,
          %get3A_387 = vector.shape_cast %get3A_386 : vector<1x16xf32> to vector<16xf32>
          %mul3A_388 = arith.mulf %get3A_379, %get3A_387 : vector<16xf32>
          %add3A_389 = arith.addf %add3A_371, %mul3A_388 : vector<16xf32>
          %get3A_390 = arith.constant 0 : i32
          %get3A_391 = arith.constant 0 : i32
          %get3A_392 = tpu.memref_slice %arg9[%scan3A_82, %get3A_390, %get3A_391] : memref<2x128x128xf32, #tpu.memory_space<vmem>> -> memref<1x128x128xf32, #tpu.memory_space<vmem>>
          %get3A_393 = tpu.memref_squeeze %get3A_392 : memref<1x128x128xf32, #tpu.memory_space<vmem>> -> memref<128x128xf32, #tpu.memory_space<vmem>>
          %get3A_394 = arith.index_cast %add3A_336 : i32 to index
          %get3A_395 = arith.constant 48 : index
          %get3A_396 = tpu.vector_load %get3A_393[%get3A_394, %get3A_395] {strides = array<i32>} : memref<128x128xf32, #tpu.memory_space<vmem>>, vector<1x16xf32>,
          %get3A_397 = vector.shape_cast %get3A_396 : vector<1x16xf32> to vector<16xf32>
          %get3A_398 = arith.constant 0 : i32
          %get3A_399 = arith.constant 0 : i32
          %get3A_400 = tpu.memref_slice %arg10[%scan3A_83, %get3A_398, %get3A_399] : memref<2x128x128xf32, #tpu.memory_space<vmem>> -> memref<1x128x128xf32, #tpu.memory_space<vmem>>
          %get3A_401 = tpu.memref_squeeze %get3A_400 : memref<1x128x128xf32, #tpu.memory_space<vmem>> -> memref<128x128xf32, #tpu.memory_space<vmem>>
          %get3A_402 = arith.index_cast %add3A_336 : i32 to index
          %get3A_403 = arith.constant 48 : index
          %get3A_404 = tpu.vector_load %get3A_401[%get3A_402, %get3A_403] {strides = array<i32>} : memref<128x128xf32, #tpu.memory_space<vmem>>, vector<1x16xf32>,
          %get3A_405 = vector.shape_cast %get3A_404 : vector<1x16xf32> to vector<16xf32>
          %mul3A_406 = arith.mulf %get3A_397, %get3A_405 : vector<16xf32>
          %add3A_407 = arith.addf %add3A_389, %mul3A_406 : vector<16xf32>
          %get3A_408 = arith.constant 0 : i32
          %get3A_409 = arith.constant 0 : i32
          %get3A_410 = tpu.memref_slice %arg9[%scan3A_82, %get3A_408, %get3A_409] : memref<2x128x128xf32, #tpu.memory_space<vmem>> -> memref<1x128x128xf32, #tpu.memory_space<vmem>>
          %get3A_411 = tpu.memref_squeeze %get3A_410 : memref<1x128x128xf32, #tpu.memory_space<vmem>> -> memref<128x128xf32, #tpu.memory_space<vmem>>
          %get3A_412 = arith.index_cast %add3A_336 : i32 to index
          %get3A_413 = arith.constant 64 : index
          %get3A_414 = tpu.vector_load %get3A_411[%get3A_412, %get3A_413] {strides = array<i32>} : memref<128x128xf32, #tpu.memory_space<vmem>>, vector<1x16xf32>,
          %get3A_415 = vector.shape_cast %get3A_414 : vector<1x16xf32> to vector<16xf32>
          %get3A_416 = arith.constant 0 : i32
          %get3A_417 = arith.constant 0 : i32
          %get3A_418 = tpu.memref_slice %arg10[%scan3A_83, %get3A_416, %get3A_417] : memref<2x128x128xf32, #tpu.memory_space<vmem>> -> memref<1x128x128xf32, #tpu.memory_space<vmem>>
          %get3A_419 = tpu.memref_squeeze %get3A_418 : memref<1x128x128xf32, #tpu.memory_space<vmem>> -> memref<128x128xf32, #tpu.memory_space<vmem>>
          %get3A_420 = arith.index_cast %add3A_336 : i32 to index
          %get3A_421 = arith.constant 64 : index
          %get3A_422 = tpu.vector_load %get3A_419[%get3A_420, %get3A_421] {strides = array<i32>} : memref<128x128xf32, #tpu.memory_space<vmem>>, vector<1x16xf32>,
          %get3A_423 = vector.shape_cast %get3A_422 : vector<1x16xf32> to vector<16xf32>
          %mul3A_424 = arith.mulf %get3A_415, %get3A_423 : vector<16xf32>
          %add3A_425 = arith.addf %add3A_407, %mul3A_424 : vector<16xf32>
          %get3A_426 = arith.constant 0 : i32
          %get3A_427 = arith.constant 0 : i32
          %get3A_428 = tpu.memref_slice %arg9[%scan3A_82, %get3A_426, %get3A_427] : memref<2x128x128xf32, #tpu.memory_space<vmem>> -> memref<1x128x128xf32, #tpu.memory_space<vmem>>
          %get3A_429 = tpu.memref_squeeze %get3A_428 : memref<1x128x128xf32, #tpu.memory_space<vmem>> -> memref<128x128xf32, #tpu.memory_space<vmem>>
          %get3A_430 = arith.index_cast %add3A_336 : i32 to index
          %get3A_431 = arith.constant 80 : index
          %get3A_432 = tpu.vector_load %get3A_429[%get3A_430, %get3A_431] {strides = array<i32>} : memref<128x128xf32, #tpu.memory_space<vmem>>, vector<1x16xf32>,
          %get3A_433 = vector.shape_cast %get3A_432 : vector<1x16xf32> to vector<16xf32>
          %get3A_434 = arith.constant 0 : i32
          %get3A_435 = arith.constant 0 : i32
          %get3A_436 = tpu.memref_slice %arg10[%scan3A_83, %get3A_434, %get3A_435] : memref<2x128x128xf32, #tpu.memory_space<vmem>> -> memref<1x128x128xf32, #tpu.memory_space<vmem>>
          %get3A_437 = tpu.memref_squeeze %get3A_436 : memref<1x128x128xf32, #tpu.memory_space<vmem>> -> memref<128x128xf32, #tpu.memory_space<vmem>>
          %get3A_438 = arith.index_cast %add3A_336 : i32 to index
          %get3A_439 = arith.constant 80 : index
          %get3A_440 = tpu.vector_load %get3A_437[%get3A_438, %get3A_439] {strides = array<i32>} : memref<128x128xf32, #tpu.memory_space<vmem>>, vector<1x16xf32>,
          %get3A_441 = vector.shape_cast %get3A_440 : vector<1x16xf32> to vector<16xf32>
          %mul3A_442 = arith.mulf %get3A_433, %get3A_441 : vector<16xf32>
          %add3A_443 = arith.addf %add3A_425, %mul3A_442 : vector<16xf32>
          %get3A_444 = arith.constant 0 : i32
          %get3A_445 = arith.constant 0 : i32
          %get3A_446 = tpu.memref_slice %arg9[%scan3A_82, %get3A_444, %get3A_445] : memref<2x128x128xf32, #tpu.memory_space<vmem>> -> memref<1x128x128xf32, #tpu.memory_space<vmem>>
          %get3A_447 = tpu.memref_squeeze %get3A_446 : memref<1x128x128xf32, #tpu.memory_space<vmem>> -> memref<128x128xf32, #tpu.memory_space<vmem>>
          %get3A_448 = arith.index_cast %add3A_336 : i32 to index
          %get3A_449 = arith.constant 96 : index
          %get3A_450 = tpu.vector_load %get3A_447[%get3A_448, %get3A_449] {strides = array<i32>} : memref<128x128xf32, #tpu.memory_space<vmem>>, vector<1x16xf32>,
          %get3A_451 = vector.shape_cast %get3A_450 : vector<1x16xf32> to vector<16xf32>
          %get3A_452 = arith.constant 0 : i32
          %get3A_453 = arith.constant 0 : i32
          %get3A_454 = tpu.memref_slice %arg10[%scan3A_83, %get3A_452, %get3A_453] : memref<2x128x128xf32, #tpu.memory_space<vmem>> -> memref<1x128x128xf32, #tpu.memory_space<vmem>>
          %get3A_455 = tpu.memref_squeeze %get3A_454 : memref<1x128x128xf32, #tpu.memory_space<vmem>> -> memref<128x128xf32, #tpu.memory_space<vmem>>
          %get3A_456 = arith.index_cast %add3A_336 : i32 to index
          %get3A_457 = arith.constant 96 : index
          %get3A_458 = tpu.vector_load %get3A_455[%get3A_456, %get3A_457] {strides = array<i32>} : memref<128x128xf32, #tpu.memory_space<vmem>>, vector<1x16xf32>,
          %get3A_459 = vector.shape_cast %get3A_458 : vector<1x16xf32> to vector<16xf32>
          %mul3A_460 = arith.mulf %get3A_451, %get3A_459 : vector<16xf32>
          %add3A_461 = arith.addf %add3A_443, %mul3A_460 : vector<16xf32>
          %get3A_462 = arith.constant 0 : i32
          %get3A_463 = arith.constant 0 : i32
          %get3A_464 = tpu.memref_slice %arg9[%scan3A_82, %get3A_462, %get3A_463] : memref<2x128x128xf32, #tpu.memory_space<vmem>> -> memref<1x128x128xf32, #tpu.memory_space<vmem>>
          %get3A_465 = tpu.memref_squeeze %get3A_464 : memref<1x128x128xf32, #tpu.memory_space<vmem>> -> memref<128x128xf32, #tpu.memory_space<vmem>>
          %get3A_466 = arith.index_cast %add3A_336 : i32 to index
          %get3A_467 = arith.constant 112 : index
          %get3A_468 = tpu.vector_load %get3A_465[%get3A_466, %get3A_467] {strides = array<i32>} : memref<128x128xf32, #tpu.memory_space<vmem>>, vector<1x16xf32>,
          %get3A_469 = vector.shape_cast %get3A_468 : vector<1x16xf32> to vector<16xf32>
          %get3A_470 = arith.constant 0 : i32
          %get3A_471 = arith.constant 0 : i32
          %get3A_472 = tpu.memref_slice %arg10[%scan3A_83, %get3A_470, %get3A_471] : memref<2x128x128xf32, #tpu.memory_space<vmem>> -> memref<1x128x128xf32, #tpu.memory_space<vmem>>
          %get3A_473 = tpu.memref_squeeze %get3A_472 : memref<1x128x128xf32, #tpu.memory_space<vmem>> -> memref<128x128xf32, #tpu.memory_space<vmem>>
          %get3A_474 = arith.index_cast %add3A_336 : i32 to index
          %get3A_475 = arith.constant 112 : index
          %get3A_476 = tpu.vector_load %get3A_473[%get3A_474, %get3A_475] {strides = array<i32>} : memref<128x128xf32, #tpu.memory_space<vmem>>, vector<1x16xf32>,
          %get3A_477 = vector.shape_cast %get3A_476 : vector<1x16xf32> to vector<16xf32>
          %mul3A_478 = arith.mulf %get3A_469, %get3A_477 : vector<16xf32>
          %add3A_479 = arith.addf %add3A_461, %mul3A_478 : vector<16xf32>
          %xor3A_480 = arith.constant 8 : i32
          %xor3A_481 = vector.broadcast %xor3A_480 : i32 to vector<16xi32>
          %xor3A_482 = arith.xori %iota3A, %xor3A_481 : vector<16xi32>
          %broadcast_in_dim3A_483 = vector.shape_cast %xor3A_482 : vector<16xi32> to vector<16x1xi32>
          %gather3A_484 = vector.shape_cast %broadcast_in_dim3A_483 : vector<16x1xi32> to vector<16xi32>
          %gather3A_485 = tpu.dynamic_gather %add3A_479[%gather3A_484] in [0] : vector<16xf32>, vector<16xi32> -> vector<16xf32>
          %add3A_486 = arith.addf %add3A_479, %gather3A_485 : vector<16xf32>
          %xor3A_487 = arith.constant 4 : i32
          %xor3A_488 = vector.broadcast %xor3A_487 : i32 to vector<16xi32>
          %xor3A_489 = arith.xori %iota3A, %xor3A_488 : vector<16xi32>
          %broadcast_in_dim3A_490 = vector.shape_cast %xor3A_489 : vector<16xi32> to vector<16x1xi32>
          %gather3A_491 = vector.shape_cast %broadcast_in_dim3A_490 : vector<16x1xi32> to vector<16xi32>
          %gather3A_492 = tpu.dynamic_gather %add3A_486[%gather3A_491] in [0] : vector<16xf32>, vector<16xi32> -> vector<16xf32>
          %add3A_493 = arith.addf %add3A_486, %gather3A_492 : vector<16xf32>
          %xor3A_494 = arith.constant 2 : i32
          %xor3A_495 = vector.broadcast %xor3A_494 : i32 to vector<16xi32>
          %xor3A_496 = arith.xori %iota3A, %xor3A_495 : vector<16xi32>
          %broadcast_in_dim3A_497 = vector.shape_cast %xor3A_496 : vector<16xi32> to vector<16x1xi32>
          %gather3A_498 = vector.shape_cast %broadcast_in_dim3A_497 : vector<16x1xi32> to vector<16xi32>
          %gather3A_499 = tpu.dynamic_gather %add3A_493[%gather3A_498] in [0] : vector<16xf32>, vector<16xi32> -> vector<16xf32>
          %add3A_500 = arith.addf %add3A_493, %gather3A_499 : vector<16xf32>
          %xor3A_501 = arith.constant 1 : i32
          %xor3A_502 = vector.broadcast %xor3A_501 : i32 to vector<16xi32>
          %xor3A_503 = arith.xori %iota3A, %xor3A_502 : vector<16xi32>
          %broadcast_in_dim3A_504 = vector.shape_cast %xor3A_503 : vector<16xi32> to vector<16x1xi32>
          %gather3A_505 = vector.shape_cast %broadcast_in_dim3A_504 : vector<16x1xi32> to vector<16xi32>
          %gather3A_506 = tpu.dynamic_gather %add3A_500[%gather3A_505] in [0] : vector<16xf32>, vector<16xi32> -> vector<16xf32>
          %add3A_507 = arith.addf %add3A_500, %gather3A_506 : vector<16xf32>
          %and3A_508 = arith.constant 15 : i32
          %and3A_509 = arith.andi %add3A_336, %and3A_508 : i32
          %eq3A_510 = vector.broadcast %and3A_509 : i32 to vector<16xi32>
          %eq3A_511 = arith.cmpi eq, %iota3A, %eq3A_510 : vector<16xi32>
          %select_n3A_512 = arith.select %eq3A_511, %add3A_507, %select_n3A : vector<16xi1>, vector<16xf32>
          %scan3A_513 = arith.constant 2 : i32
          %scan3A_514 = arith.addi %scan3A_157, %scan3A_513 : i32
          %mul3A_515 = arith.constant 16 : i32
          %mul3A_516 = arith.muli %scan3A_143, %mul3A_515 : i32
          %add3A_517 = arith.addi %mul3A_516, %scan3A_514 : i32
          %get3A_518 = arith.constant 0 : i32
          %get3A_519 = arith.constant 0 : i32
          %get3A_520 = tpu.memref_slice %arg9[%scan3A_82, %get3A_518, %get3A_519] : memref<2x128x128xf32, #tpu.memory_space<vmem>> -> memref<1x128x128xf32, #tpu.memory_space<vmem>>
          %get3A_521 = tpu.memref_squeeze %get3A_520 : memref<1x128x128xf32, #tpu.memory_space<vmem>> -> memref<128x128xf32, #tpu.memory_space<vmem>>
          %get3A_522 = arith.index_cast %add3A_517 : i32 to index
          %get3A_523 = arith.constant 0 : index
          %get3A_524 = tpu.vector_load %get3A_521[%get3A_522, %get3A_523] {strides = array<i32>} : memref<128x128xf32, #tpu.memory_space<vmem>>, vector<1x16xf32>,
          %get3A_525 = vector.shape_cast %get3A_524 : vector<1x16xf32> to vector<16xf32>
          %get3A_526 = arith.constant 0 : i32
          %get3A_527 = arith.constant 0 : i32
          %get3A_528 = tpu.memref_slice %arg10[%scan3A_83, %get3A_526, %get3A_527] : memref<2x128x128xf32, #tpu.memory_space<vmem>> -> memref<1x128x128xf32, #tpu.memory_space<vmem>>
          %get3A_529 = tpu.memref_squeeze %get3A_528 : memref<1x128x128xf32, #tpu.memory_space<vmem>> -> memref<128x128xf32, #tpu.memory_space<vmem>>
          %get3A_530 = arith.index_cast %add3A_517 : i32 to index
          %get3A_531 = arith.constant 0 : index
          %get3A_532 = tpu.vector_load %get3A_529[%get3A_530, %get3A_531] {strides = array<i32>} : memref<128x128xf32, #tpu.memory_space<vmem>>, vector<1x16xf32>,
          %get3A_533 = vector.shape_cast %get3A_532 : vector<1x16xf32> to vector<16xf32>
          %mul3A_534 = arith.mulf %get3A_525, %get3A_533 : vector<16xf32>
          %get3A_535 = arith.constant 0 : i32
          %get3A_536 = arith.constant 0 : i32
          %get3A_537 = tpu.memref_slice %arg9[%scan3A_82, %get3A_535, %get3A_536] : memref<2x128x128xf32, #tpu.memory_space<vmem>> -> memref<1x128x128xf32, #tpu.memory_space<vmem>>
          %get3A_538 = tpu.memref_squeeze %get3A_537 : memref<1x128x128xf32, #tpu.memory_space<vmem>> -> memref<128x128xf32, #tpu.memory_space<vmem>>
          %get3A_539 = arith.index_cast %add3A_517 : i32 to index
          %get3A_540 = arith.constant 16 : index
          %get3A_541 = tpu.vector_load %get3A_538[%get3A_539, %get3A_540] {strides = array<i32>} : memref<128x128xf32, #tpu.memory_space<vmem>>, vector<1x16xf32>,
          %get3A_542 = vector.shape_cast %get3A_541 : vector<1x16xf32> to vector<16xf32>
          %get3A_543 = arith.constant 0 : i32
          %get3A_544 = arith.constant 0 : i32
          %get3A_545 = tpu.memref_slice %arg10[%scan3A_83, %get3A_543, %get3A_544] : memref<2x128x128xf32, #tpu.memory_space<vmem>> -> memref<1x128x128xf32, #tpu.memory_space<vmem>>
          %get3A_546 = tpu.memref_squeeze %get3A_545 : memref<1x128x128xf32, #tpu.memory_space<vmem>> -> memref<128x128xf32, #tpu.memory_space<vmem>>
          %get3A_547 = arith.index_cast %add3A_517 : i32 to index
          %get3A_548 = arith.constant 16 : index
          %get3A_549 = tpu.vector_load %get3A_546[%get3A_547, %get3A_548] {strides = array<i32>} : memref<128x128xf32, #tpu.memory_space<vmem>>, vector<1x16xf32>,
          %get3A_550 = vector.shape_cast %get3A_549 : vector<1x16xf32> to vector<16xf32>
          %mul3A_551 = arith.mulf %get3A_542, %get3A_550 : vector<16xf32>
          %add3A_552 = arith.addf %mul3A_534, %mul3A_551 : vector<16xf32>
          %get3A_553 = arith.constant 0 : i32
          %get3A_554 = arith.constant 0 : i32
          %get3A_555 = tpu.memref_slice %arg9[%scan3A_82, %get3A_553, %get3A_554] : memref<2x128x128xf32, #tpu.memory_space<vmem>> -> memref<1x128x128xf32, #tpu.memory_space<vmem>>
          %get3A_556 = tpu.memref_squeeze %get3A_555 : memref<1x128x128xf32, #tpu.memory_space<vmem>> -> memref<128x128xf32, #tpu.memory_space<vmem>>
          %get3A_557 = arith.index_cast %add3A_517 : i32 to index
          %get3A_558 = arith.constant 32 : index
          %get3A_559 = tpu.vector_load %get3A_556[%get3A_557, %get3A_558] {strides = array<i32>} : memref<128x128xf32, #tpu.memory_space<vmem>>, vector<1x16xf32>,
          %get3A_560 = vector.shape_cast %get3A_559 : vector<1x16xf32> to vector<16xf32>
          %get3A_561 = arith.constant 0 : i32
          %get3A_562 = arith.constant 0 : i32
          %get3A_563 = tpu.memref_slice %arg10[%scan3A_83, %get3A_561, %get3A_562] : memref<2x128x128xf32, #tpu.memory_space<vmem>> -> memref<1x128x128xf32, #tpu.memory_space<vmem>>
          %get3A_564 = tpu.memref_squeeze %get3A_563 : memref<1x128x128xf32, #tpu.memory_space<vmem>> -> memref<128x128xf32, #tpu.memory_space<vmem>>
          %get3A_565 = arith.index_cast %add3A_517 : i32 to index
          %get3A_566 = arith.constant 32 : index
          %get3A_567 = tpu.vector_load %get3A_564[%get3A_565, %get3A_566] {strides = array<i32>} : memref<128x128xf32, #tpu.memory_space<vmem>>, vector<1x16xf32>,
          %get3A_568 = vector.shape_cast %get3A_567 : vector<1x16xf32> to vector<16xf32>
          %mul3A_569 = arith.mulf %get3A_560, %get3A_568 : vector<16xf32>
          %add3A_570 = arith.addf %add3A_552, %mul3A_569 : vector<16xf32>
          %get3A_571 = arith.constant 0 : i32
          %get3A_572 = arith.constant 0 : i32
          %get3A_573 = tpu.memref_slice %arg9[%scan3A_82, %get3A_571, %get3A_572] : memref<2x128x128xf32, #tpu.memory_space<vmem>> -> memref<1x128x128xf32, #tpu.memory_space<vmem>>
          %get3A_574 = tpu.memref_squeeze %get3A_573 : memref<1x128x128xf32, #tpu.memory_space<vmem>> -> memref<128x128xf32, #tpu.memory_space<vmem>>
          %get3A_575 = arith.index_cast %add3A_517 : i32 to index
          %get3A_576 = arith.constant 48 : index
          %get3A_577 = tpu.vector_load %get3A_574[%get3A_575, %get3A_576] {strides = array<i32>} : memref<128x128xf32, #tpu.memory_space<vmem>>, vector<1x16xf32>,
          %get3A_578 = vector.shape_cast %get3A_577 : vector<1x16xf32> to vector<16xf32>
          %get3A_579 = arith.constant 0 : i32
          %get3A_580 = arith.constant 0 : i32
          %get3A_581 = tpu.memref_slice %arg10[%scan3A_83, %get3A_579, %get3A_580] : memref<2x128x128xf32, #tpu.memory_space<vmem>> -> memref<1x128x128xf32, #tpu.memory_space<vmem>>
          %get3A_582 = tpu.memref_squeeze %get3A_581 : memref<1x128x128xf32, #tpu.memory_space<vmem>> -> memref<128x128xf32, #tpu.memory_space<vmem>>
          %get3A_583 = arith.index_cast %add3A_517 : i32 to index
          %get3A_584 = arith.constant 48 : index
          %get3A_585 = tpu.vector_load %get3A_582[%get3A_583, %get3A_584] {strides = array<i32>} : memref<128x128xf32, #tpu.memory_space<vmem>>, vector<1x16xf32>,
          %get3A_586 = vector.shape_cast %get3A_585 : vector<1x16xf32> to vector<16xf32>
          %mul3A_587 = arith.mulf %get3A_578, %get3A_586 : vector<16xf32>
          %add3A_588 = arith.addf %add3A_570, %mul3A_587 : vector<16xf32>
          %get3A_589 = arith.constant 0 : i32
          %get3A_590 = arith.constant 0 : i32
          %get3A_591 = tpu.memref_slice %arg9[%scan3A_82, %get3A_589, %get3A_590] : memref<2x128x128xf32, #tpu.memory_space<vmem>> -> memref<1x128x128xf32, #tpu.memory_space<vmem>>
          %get3A_592 = tpu.memref_squeeze %get3A_591 : memref<1x128x128xf32, #tpu.memory_space<vmem>> -> memref<128x128xf32, #tpu.memory_space<vmem>>
          %get3A_593 = arith.index_cast %add3A_517 : i32 to index
          %get3A_594 = arith.constant 64 : index
          %get3A_595 = tpu.vector_load %get3A_592[%get3A_593, %get3A_594] {strides = array<i32>} : memref<128x128xf32, #tpu.memory_space<vmem>>, vector<1x16xf32>,
          %get3A_596 = vector.shape_cast %get3A_595 : vector<1x16xf32> to vector<16xf32>
          %get3A_597 = arith.constant 0 : i32
          %get3A_598 = arith.constant 0 : i32
          %get3A_599 = tpu.memref_slice %arg10[%scan3A_83, %get3A_597, %get3A_598] : memref<2x128x128xf32, #tpu.memory_space<vmem>> -> memref<1x128x128xf32, #tpu.memory_space<vmem>>
          %get3A_600 = tpu.memref_squeeze %get3A_599 : memref<1x128x128xf32, #tpu.memory_space<vmem>> -> memref<128x128xf32, #tpu.memory_space<vmem>>
          %get3A_601 = arith.index_cast %add3A_517 : i32 to index
          %get3A_602 = arith.constant 64 : index
          %get3A_603 = tpu.vector_load %get3A_600[%get3A_601, %get3A_602] {strides = array<i32>} : memref<128x128xf32, #tpu.memory_space<vmem>>, vector<1x16xf32>,
          %get3A_604 = vector.shape_cast %get3A_603 : vector<1x16xf32> to vector<16xf32>
          %mul3A_605 = arith.mulf %get3A_596, %get3A_604 : vector<16xf32>
          %add3A_606 = arith.addf %add3A_588, %mul3A_605 : vector<16xf32>
          %get3A_607 = arith.constant 0 : i32
          %get3A_608 = arith.constant 0 : i32
          %get3A_609 = tpu.memref_slice %arg9[%scan3A_82, %get3A_607, %get3A_608] : memref<2x128x128xf32, #tpu.memory_space<vmem>> -> memref<1x128x128xf32, #tpu.memory_space<vmem>>
          %get3A_610 = tpu.memref_squeeze %get3A_609 : memref<1x128x128xf32, #tpu.memory_space<vmem>> -> memref<128x128xf32, #tpu.memory_space<vmem>>
          %get3A_611 = arith.index_cast %add3A_517 : i32 to index
          %get3A_612 = arith.constant 80 : index
          %get3A_613 = tpu.vector_load %get3A_610[%get3A_611, %get3A_612] {strides = array<i32>} : memref<128x128xf32, #tpu.memory_space<vmem>>, vector<1x16xf32>,
          %get3A_614 = vector.shape_cast %get3A_613 : vector<1x16xf32> to vector<16xf32>
          %get3A_615 = arith.constant 0 : i32
          %get3A_616 = arith.constant 0 : i32
          %get3A_617 = tpu.memref_slice %arg10[%scan3A_83, %get3A_615, %get3A_616] : memref<2x128x128xf32, #tpu.memory_space<vmem>> -> memref<1x128x128xf32, #tpu.memory_space<vmem>>
          %get3A_618 = tpu.memref_squeeze %get3A_617 : memref<1x128x128xf32, #tpu.memory_space<vmem>> -> memref<128x128xf32, #tpu.memory_space<vmem>>
          %get3A_619 = arith.index_cast %add3A_517 : i32 to index
          %get3A_620 = arith.constant 80 : index
          %get3A_621 = tpu.vector_load %get3A_618[%get3A_619, %get3A_620] {strides = array<i32>} : memref<128x128xf32, #tpu.memory_space<vmem>>, vector<1x16xf32>,
          %get3A_622 = vector.shape_cast %get3A_621 : vector<1x16xf32> to vector<16xf32>
          %mul3A_623 = arith.mulf %get3A_614, %get3A_622 : vector<16xf32>
          %add3A_624 = arith.addf %add3A_606, %mul3A_623 : vector<16xf32>
          %get3A_625 = arith.constant 0 : i32
          %get3A_626 = arith.constant 0 : i32
          %get3A_627 = tpu.memref_slice %arg9[%scan3A_82, %get3A_625, %get3A_626] : memref<2x128x128xf32, #tpu.memory_space<vmem>> -> memref<1x128x128xf32, #tpu.memory_space<vmem>>
          %get3A_628 = tpu.memref_squeeze %get3A_627 : memref<1x128x128xf32, #tpu.memory_space<vmem>> -> memref<128x128xf32, #tpu.memory_space<vmem>>
          %get3A_629 = arith.index_cast %add3A_517 : i32 to index
          %get3A_630 = arith.constant 96 : index
          %get3A_631 = tpu.vector_load %get3A_628[%get3A_629, %get3A_630] {strides = array<i32>} : memref<128x128xf32, #tpu.memory_space<vmem>>, vector<1x16xf32>,
          %get3A_632 = vector.shape_cast %get3A_631 : vector<1x16xf32> to vector<16xf32>
          %get3A_633 = arith.constant 0 : i32
          %get3A_634 = arith.constant 0 : i32
          %get3A_635 = tpu.memref_slice %arg10[%scan3A_83, %get3A_633, %get3A_634] : memref<2x128x128xf32, #tpu.memory_space<vmem>> -> memref<1x128x128xf32, #tpu.memory_space<vmem>>
          %get3A_636 = tpu.memref_squeeze %get3A_635 : memref<1x128x128xf32, #tpu.memory_space<vmem>> -> memref<128x128xf32, #tpu.memory_space<vmem>>
          %get3A_637 = arith.index_cast %add3A_517 : i32 to index
          %get3A_638 = arith.constant 96 : index
          %get3A_639 = tpu.vector_load %get3A_636[%get3A_637, %get3A_638] {strides = array<i32>} : memref<128x128xf32, #tpu.memory_space<vmem>>, vector<1x16xf32>,
          %get3A_640 = vector.shape_cast %get3A_639 : vector<1x16xf32> to vector<16xf32>
          %mul3A_641 = arith.mulf %get3A_632, %get3A_640 : vector<16xf32>
          %add3A_642 = arith.addf %add3A_624, %mul3A_641 : vector<16xf32>
          %get3A_643 = arith.constant 0 : i32
          %get3A_644 = arith.constant 0 : i32
          %get3A_645 = tpu.memref_slice %arg9[%scan3A_82, %get3A_643, %get3A_644] : memref<2x128x128xf32, #tpu.memory_space<vmem>> -> memref<1x128x128xf32, #tpu.memory_space<vmem>>
          %get3A_646 = tpu.memref_squeeze %get3A_645 : memref<1x128x128xf32, #tpu.memory_space<vmem>> -> memref<128x128xf32, #tpu.memory_space<vmem>>
          %get3A_647 = arith.index_cast %add3A_517 : i32 to index
          %get3A_648 = arith.constant 112 : index
          %get3A_649 = tpu.vector_load %get3A_646[%get3A_647, %get3A_648] {strides = array<i32>} : memref<128x128xf32, #tpu.memory_space<vmem>>, vector<1x16xf32>,
          %get3A_650 = vector.shape_cast %get3A_649 : vector<1x16xf32> to vector<16xf32>
          %get3A_651 = arith.constant 0 : i32
          %get3A_652 = arith.constant 0 : i32
          %get3A_653 = tpu.memref_slice %arg10[%scan3A_83, %get3A_651, %get3A_652] : memref<2x128x128xf32, #tpu.memory_space<vmem>> -> memref<1x128x128xf32, #tpu.memory_space<vmem>>
          %get3A_654 = tpu.memref_squeeze %get3A_653 : memref<1x128x128xf32, #tpu.memory_space<vmem>> -> memref<128x128xf32, #tpu.memory_space<vmem>>
          %get3A_655 = arith.index_cast %add3A_517 : i32 to index
          %get3A_656 = arith.constant 112 : index
          %get3A_657 = tpu.vector_load %get3A_654[%get3A_655, %get3A_656] {strides = array<i32>} : memref<128x128xf32, #tpu.memory_space<vmem>>, vector<1x16xf32>,
          %get3A_658 = vector.shape_cast %get3A_657 : vector<1x16xf32> to vector<16xf32>
          %mul3A_659 = arith.mulf %get3A_650, %get3A_658 : vector<16xf32>
          %add3A_660 = arith.addf %add3A_642, %mul3A_659 : vector<16xf32>
          %xor3A_661 = arith.constant 8 : i32
          %xor3A_662 = vector.broadcast %xor3A_661 : i32 to vector<16xi32>
          %xor3A_663 = arith.xori %iota3A, %xor3A_662 : vector<16xi32>
          %broadcast_in_dim3A_664 = vector.shape_cast %xor3A_663 : vector<16xi32> to vector<16x1xi32>
          %gather3A_665 = vector.shape_cast %broadcast_in_dim3A_664 : vector<16x1xi32> to vector<16xi32>
          %gather3A_666 = tpu.dynamic_gather %add3A_660[%gather3A_665] in [0] : vector<16xf32>, vector<16xi32> -> vector<16xf32>
          %add3A_667 = arith.addf %add3A_660, %gather3A_666 : vector<16xf32>
          %xor3A_668 = arith.constant 4 : i32
          %xor3A_669 = vector.broadcast %xor3A_668 : i32 to vector<16xi32>
          %xor3A_670 = arith.xori %iota3A, %xor3A_669 : vector<16xi32>
          %broadcast_in_dim3A_671 = vector.shape_cast %xor3A_670 : vector<16xi32> to vector<16x1xi32>
          %gather3A_672 = vector.shape_cast %broadcast_in_dim3A_671 : vector<16x1xi32> to vector<16xi32>
          %gather3A_673 = tpu.dynamic_gather %add3A_667[%gather3A_672] in [0] : vector<16xf32>, vector<16xi32> -> vector<16xf32>
          %add3A_674 = arith.addf %add3A_667, %gather3A_673 : vector<16xf32>
          %xor3A_675 = arith.constant 2 : i32
          %xor3A_676 = vector.broadcast %xor3A_675 : i32 to vector<16xi32>
          %xor3A_677 = arith.xori %iota3A, %xor3A_676 : vector<16xi32>
          %broadcast_in_dim3A_678 = vector.shape_cast %xor3A_677 : vector<16xi32> to vector<16x1xi32>
          %gather3A_679 = vector.shape_cast %broadcast_in_dim3A_678 : vector<16x1xi32> to vector<16xi32>
          %gather3A_680 = tpu.dynamic_gather %add3A_674[%gather3A_679] in [0] : vector<16xf32>, vector<16xi32> -> vector<16xf32>
          %add3A_681 = arith.addf %add3A_674, %gather3A_680 : vector<16xf32>
          %xor3A_682 = arith.constant 1 : i32
          %xor3A_683 = vector.broadcast %xor3A_682 : i32 to vector<16xi32>
          %xor3A_684 = arith.xori %iota3A, %xor3A_683 : vector<16xi32>
          %broadcast_in_dim3A_685 = vector.shape_cast %xor3A_684 : vector<16xi32> to vector<16x1xi32>
          %gather3A_686 = vector.shape_cast %broadcast_in_dim3A_685 : vector<16x1xi32> to vector<16xi32>
          %gather3A_687 = tpu.dynamic_gather %add3A_681[%gather3A_686] in [0] : vector<16xf32>, vector<16xi32> -> vector<16xf32>
          %add3A_688 = arith.addf %add3A_681, %gather3A_687 : vector<16xf32>
          %and3A_689 = arith.constant 15 : i32
          %and3A_690 = arith.andi %add3A_517, %and3A_689 : i32
          %eq3A_691 = vector.broadcast %and3A_690 : i32 to vector<16xi32>
          %eq3A_692 = arith.cmpi eq, %iota3A, %eq3A_691 : vector<16xi32>
          %select_n3A_693 = arith.select %eq3A_692, %add3A_688, %select_n3A_512 : vector<16xi1>, vector<16xf32>
          %scan3A_694 = arith.constant 3 : i32
          %scan3A_695 = arith.addi %scan3A_157, %scan3A_694 : i32
          %mul3A_696 = arith.constant 16 : i32
          %mul3A_697 = arith.muli %scan3A_143, %mul3A_696 : i32
          %add3A_698 = arith.addi %mul3A_697, %scan3A_695 : i32
          %get3A_699 = arith.constant 0 : i32
          %get3A_700 = arith.constant 0 : i32
          %get3A_701 = tpu.memref_slice %arg9[%scan3A_82, %get3A_699, %get3A_700] : memref<2x128x128xf32, #tpu.memory_space<vmem>> -> memref<1x128x128xf32, #tpu.memory_space<vmem>>
          %get3A_702 = tpu.memref_squeeze %get3A_701 : memref<1x128x128xf32, #tpu.memory_space<vmem>> -> memref<128x128xf32, #tpu.memory_space<vmem>>
          %get3A_703 = arith.index_cast %add3A_698 : i32 to index
          %get3A_704 = arith.constant 0 : index
          %get3A_705 = tpu.vector_load %get3A_702[%get3A_703, %get3A_704] {strides = array<i32>} : memref<128x128xf32, #tpu.memory_space<vmem>>, vector<1x16xf32>,
          %get3A_706 = vector.shape_cast %get3A_705 : vector<1x16xf32> to vector<16xf32>
          %get3A_707 = arith.constant 0 : i32
          %get3A_708 = arith.constant 0 : i32
          %get3A_709 = tpu.memref_slice %arg10[%scan3A_83, %get3A_707, %get3A_708] : memref<2x128x128xf32, #tpu.memory_space<vmem>> -> memref<1x128x128xf32, #tpu.memory_space<vmem>>
          %get3A_710 = tpu.memref_squeeze %get3A_709 : memref<1x128x128xf32, #tpu.memory_space<vmem>> -> memref<128x128xf32, #tpu.memory_space<vmem>>
          %get3A_711 = arith.index_cast %add3A_698 : i32 to index
          %get3A_712 = arith.constant 0 : index
          %get3A_713 = tpu.vector_load %get3A_710[%get3A_711, %get3A_712] {strides = array<i32>} : memref<128x128xf32, #tpu.memory_space<vmem>>, vector<1x16xf32>,
          %get3A_714 = vector.shape_cast %get3A_713 : vector<1x16xf32> to vector<16xf32>
          %mul3A_715 = arith.mulf %get3A_706, %get3A_714 : vector<16xf32>
          %get3A_716 = arith.constant 0 : i32
          %get3A_717 = arith.constant 0 : i32
          %get3A_718 = tpu.memref_slice %arg9[%scan3A_82, %get3A_716, %get3A_717] : memref<2x128x128xf32, #tpu.memory_space<vmem>> -> memref<1x128x128xf32, #tpu.memory_space<vmem>>
          %get3A_719 = tpu.memref_squeeze %get3A_718 : memref<1x128x128xf32, #tpu.memory_space<vmem>> -> memref<128x128xf32, #tpu.memory_space<vmem>>
          %get3A_720 = arith.index_cast %add3A_698 : i32 to index
          %get3A_721 = arith.constant 16 : index
          %get3A_722 = tpu.vector_load %get3A_719[%get3A_720, %get3A_721] {strides = array<i32>} : memref<128x128xf32, #tpu.memory_space<vmem>>, vector<1x16xf32>,
          %get3A_723 = vector.shape_cast %get3A_722 : vector<1x16xf32> to vector<16xf32>
          %get3A_724 = arith.constant 0 : i32
          %get3A_725 = arith.constant 0 : i32
          %get3A_726 = tpu.memref_slice %arg10[%scan3A_83, %get3A_724, %get3A_725] : memref<2x128x128xf32, #tpu.memory_space<vmem>> -> memref<1x128x128xf32, #tpu.memory_space<vmem>>
          %get3A_727 = tpu.memref_squeeze %get3A_726 : memref<1x128x128xf32, #tpu.memory_space<vmem>> -> memref<128x128xf32, #tpu.memory_space<vmem>>
          %get3A_728 = arith.index_cast %add3A_698 : i32 to index
          %get3A_729 = arith.constant 16 : index
          %get3A_730 = tpu.vector_load %get3A_727[%get3A_728, %get3A_729] {strides = array<i32>} : memref<128x128xf32, #tpu.memory_space<vmem>>, vector<1x16xf32>,
          %get3A_731 = vector.shape_cast %get3A_730 : vector<1x16xf32> to vector<16xf32>
          %mul3A_732 = arith.mulf %get3A_723, %get3A_731 : vector<16xf32>
          %add3A_733 = arith.addf %mul3A_715, %mul3A_732 : vector<16xf32>
          %get3A_734 = arith.constant 0 : i32
          %get3A_735 = arith.constant 0 : i32
          %get3A_736 = tpu.memref_slice %arg9[%scan3A_82, %get3A_734, %get3A_735] : memref<2x128x128xf32, #tpu.memory_space<vmem>> -> memref<1x128x128xf32, #tpu.memory_space<vmem>>
          %get3A_737 = tpu.memref_squeeze %get3A_736 : memref<1x128x128xf32, #tpu.memory_space<vmem>> -> memref<128x128xf32, #tpu.memory_space<vmem>>
          %get3A_738 = arith.index_cast %add3A_698 : i32 to index
          %get3A_739 = arith.constant 32 : index
          %get3A_740 = tpu.vector_load %get3A_737[%get3A_738, %get3A_739] {strides = array<i32>} : memref<128x128xf32, #tpu.memory_space<vmem>>, vector<1x16xf32>,
          %get3A_741 = vector.shape_cast %get3A_740 : vector<1x16xf32> to vector<16xf32>
          %get3A_742 = arith.constant 0 : i32
          %get3A_743 = arith.constant 0 : i32
          %get3A_744 = tpu.memref_slice %arg10[%scan3A_83, %get3A_742, %get3A_743] : memref<2x128x128xf32, #tpu.memory_space<vmem>> -> memref<1x128x128xf32, #tpu.memory_space<vmem>>
          %get3A_745 = tpu.memref_squeeze %get3A_744 : memref<1x128x128xf32, #tpu.memory_space<vmem>> -> memref<128x128xf32, #tpu.memory_space<vmem>>
          %get3A_746 = arith.index_cast %add3A_698 : i32 to index
          %get3A_747 = arith.constant 32 : index
          %get3A_748 = tpu.vector_load %get3A_745[%get3A_746, %get3A_747] {strides = array<i32>} : memref<128x128xf32, #tpu.memory_space<vmem>>, vector<1x16xf32>,
          %get3A_749 = vector.shape_cast %get3A_748 : vector<1x16xf32> to vector<16xf32>
          %mul3A_750 = arith.mulf %get3A_741, %get3A_749 : vector<16xf32>
          %add3A_751 = arith.addf %add3A_733, %mul3A_750 : vector<16xf32>
          %get3A_752 = arith.constant 0 : i32
          %get3A_753 = arith.constant 0 : i32
          %get3A_754 = tpu.memref_slice %arg9[%scan3A_82, %get3A_752, %get3A_753] : memref<2x128x128xf32, #tpu.memory_space<vmem>> -> memref<1x128x128xf32, #tpu.memory_space<vmem>>
          %get3A_755 = tpu.memref_squeeze %get3A_754 : memref<1x128x128xf32, #tpu.memory_space<vmem>> -> memref<128x128xf32, #tpu.memory_space<vmem>>
          %get3A_756 = arith.index_cast %add3A_698 : i32 to index
          %get3A_757 = arith.constant 48 : index
          %get3A_758 = tpu.vector_load %get3A_755[%get3A_756, %get3A_757] {strides = array<i32>} : memref<128x128xf32, #tpu.memory_space<vmem>>, vector<1x16xf32>,
          %get3A_759 = vector.shape_cast %get3A_758 : vector<1x16xf32> to vector<16xf32>
          %get3A_760 = arith.constant 0 : i32
          %get3A_761 = arith.constant 0 : i32
          %get3A_762 = tpu.memref_slice %arg10[%scan3A_83, %get3A_760, %get3A_761] : memref<2x128x128xf32, #tpu.memory_space<vmem>> -> memref<1x128x128xf32, #tpu.memory_space<vmem>>
          %get3A_763 = tpu.memref_squeeze %get3A_762 : memref<1x128x128xf32, #tpu.memory_space<vmem>> -> memref<128x128xf32, #tpu.memory_space<vmem>>
          %get3A_764 = arith.index_cast %add3A_698 : i32 to index
          %get3A_765 = arith.constant 48 : index
          %get3A_766 = tpu.vector_load %get3A_763[%get3A_764, %get3A_765] {strides = array<i32>} : memref<128x128xf32, #tpu.memory_space<vmem>>, vector<1x16xf32>,
          %get3A_767 = vector.shape_cast %get3A_766 : vector<1x16xf32> to vector<16xf32>
          %mul3A_768 = arith.mulf %get3A_759, %get3A_767 : vector<16xf32>
          %add3A_769 = arith.addf %add3A_751, %mul3A_768 : vector<16xf32>
          %get3A_770 = arith.constant 0 : i32
          %get3A_771 = arith.constant 0 : i32
          %get3A_772 = tpu.memref_slice %arg9[%scan3A_82, %get3A_770, %get3A_771] : memref<2x128x128xf32, #tpu.memory_space<vmem>> -> memref<1x128x128xf32, #tpu.memory_space<vmem>>
          %get3A_773 = tpu.memref_squeeze %get3A_772 : memref<1x128x128xf32, #tpu.memory_space<vmem>> -> memref<128x128xf32, #tpu.memory_space<vmem>>
          %get3A_774 = arith.index_cast %add3A_698 : i32 to index
          %get3A_775 = arith.constant 64 : index
          %get3A_776 = tpu.vector_load %get3A_773[%get3A_774, %get3A_775] {strides = array<i32>} : memref<128x128xf32, #tpu.memory_space<vmem>>, vector<1x16xf32>,
          %get3A_777 = vector.shape_cast %get3A_776 : vector<1x16xf32> to vector<16xf32>
          %get3A_778 = arith.constant 0 : i32
          %get3A_779 = arith.constant 0 : i32
          %get3A_780 = tpu.memref_slice %arg10[%scan3A_83, %get3A_778, %get3A_779] : memref<2x128x128xf32, #tpu.memory_space<vmem>> -> memref<1x128x128xf32, #tpu.memory_space<vmem>>
          %get3A_781 = tpu.memref_squeeze %get3A_780 : memref<1x128x128xf32, #tpu.memory_space<vmem>> -> memref<128x128xf32, #tpu.memory_space<vmem>>
          %get3A_782 = arith.index_cast %add3A_698 : i32 to index
          %get3A_783 = arith.constant 64 : index
          %get3A_784 = tpu.vector_load %get3A_781[%get3A_782, %get3A_783] {strides = array<i32>} : memref<128x128xf32, #tpu.memory_space<vmem>>, vector<1x16xf32>,
          %get3A_785 = vector.shape_cast %get3A_784 : vector<1x16xf32> to vector<16xf32>
          %mul3A_786 = arith.mulf %get3A_777, %get3A_785 : vector<16xf32>
          %add3A_787 = arith.addf %add3A_769, %mul3A_786 : vector<16xf32>
          %get3A_788 = arith.constant 0 : i32
          %get3A_789 = arith.constant 0 : i32
          %get3A_790 = tpu.memref_slice %arg9[%scan3A_82, %get3A_788, %get3A_789] : memref<2x128x128xf32, #tpu.memory_space<vmem>> -> memref<1x128x128xf32, #tpu.memory_space<vmem>>
          %get3A_791 = tpu.memref_squeeze %get3A_790 : memref<1x128x128xf32, #tpu.memory_space<vmem>> -> memref<128x128xf32, #tpu.memory_space<vmem>>
          %get3A_792 = arith.index_cast %add3A_698 : i32 to index
          %get3A_793 = arith.constant 80 : index
          %get3A_794 = tpu.vector_load %get3A_791[%get3A_792, %get3A_793] {strides = array<i32>} : memref<128x128xf32, #tpu.memory_space<vmem>>, vector<1x16xf32>,
          %get3A_795 = vector.shape_cast %get3A_794 : vector<1x16xf32> to vector<16xf32>
          %get3A_796 = arith.constant 0 : i32
          %get3A_797 = arith.constant 0 : i32
          %get3A_798 = tpu.memref_slice %arg10[%scan3A_83, %get3A_796, %get3A_797] : memref<2x128x128xf32, #tpu.memory_space<vmem>> -> memref<1x128x128xf32, #tpu.memory_space<vmem>>
          %get3A_799 = tpu.memref_squeeze %get3A_798 : memref<1x128x128xf32, #tpu.memory_space<vmem>> -> memref<128x128xf32, #tpu.memory_space<vmem>>
          %get3A_800 = arith.index_cast %add3A_698 : i32 to index
          %get3A_801 = arith.constant 80 : index
          %get3A_802 = tpu.vector_load %get3A_799[%get3A_800, %get3A_801] {strides = array<i32>} : memref<128x128xf32, #tpu.memory_space<vmem>>, vector<1x16xf32>,
          %get3A_803 = vector.shape_cast %get3A_802 : vector<1x16xf32> to vector<16xf32>
          %mul3A_804 = arith.mulf %get3A_795, %get3A_803 : vector<16xf32>
          %add3A_805 = arith.addf %add3A_787, %mul3A_804 : vector<16xf32>
          %get3A_806 = arith.constant 0 : i32
          %get3A_807 = arith.constant 0 : i32
          %get3A_808 = tpu.memref_slice %arg9[%scan3A_82, %get3A_806, %get3A_807] : memref<2x128x128xf32, #tpu.memory_space<vmem>> -> memref<1x128x128xf32, #tpu.memory_space<vmem>>
          %get3A_809 = tpu.memref_squeeze %get3A_808 : memref<1x128x128xf32, #tpu.memory_space<vmem>> -> memref<128x128xf32, #tpu.memory_space<vmem>>
          %get3A_810 = arith.index_cast %add3A_698 : i32 to index
          %get3A_811 = arith.constant 96 : index
          %get3A_812 = tpu.vector_load %get3A_809[%get3A_810, %get3A_811] {strides = array<i32>} : memref<128x128xf32, #tpu.memory_space<vmem>>, vector<1x16xf32>,
          %get3A_813 = vector.shape_cast %get3A_812 : vector<1x16xf32> to vector<16xf32>
          %get3A_814 = arith.constant 0 : i32
          %get3A_815 = arith.constant 0 : i32
          %get3A_816 = tpu.memref_slice %arg10[%scan3A_83, %get3A_814, %get3A_815] : memref<2x128x128xf32, #tpu.memory_space<vmem>> -> memref<1x128x128xf32, #tpu.memory_space<vmem>>
          %get3A_817 = tpu.memref_squeeze %get3A_816 : memref<1x128x128xf32, #tpu.memory_space<vmem>> -> memref<128x128xf32, #tpu.memory_space<vmem>>
          %get3A_818 = arith.index_cast %add3A_698 : i32 to index
          %get3A_819 = arith.constant 96 : index
          %get3A_820 = tpu.vector_load %get3A_817[%get3A_818, %get3A_819] {strides = array<i32>} : memref<128x128xf32, #tpu.memory_space<vmem>>, vector<1x16xf32>,
          %get3A_821 = vector.shape_cast %get3A_820 : vector<1x16xf32> to vector<16xf32>
          %mul3A_822 = arith.mulf %get3A_813, %get3A_821 : vector<16xf32>
          %add3A_823 = arith.addf %add3A_805, %mul3A_822 : vector<16xf32>
          %get3A_824 = arith.constant 0 : i32
          %get3A_825 = arith.constant 0 : i32
          %get3A_826 = tpu.memref_slice %arg9[%scan3A_82, %get3A_824, %get3A_825] : memref<2x128x128xf32, #tpu.memory_space<vmem>> -> memref<1x128x128xf32, #tpu.memory_space<vmem>>
          %get3A_827 = tpu.memref_squeeze %get3A_826 : memref<1x128x128xf32, #tpu.memory_space<vmem>> -> memref<128x128xf32, #tpu.memory_space<vmem>>
          %get3A_828 = arith.index_cast %add3A_698 : i32 to index
          %get3A_829 = arith.constant 112 : index
          %get3A_830 = tpu.vector_load %get3A_827[%get3A_828, %get3A_829] {strides = array<i32>} : memref<128x128xf32, #tpu.memory_space<vmem>>, vector<1x16xf32>,
          %get3A_831 = vector.shape_cast %get3A_830 : vector<1x16xf32> to vector<16xf32>
          %get3A_832 = arith.constant 0 : i32
          %get3A_833 = arith.constant 0 : i32
          %get3A_834 = tpu.memref_slice %arg10[%scan3A_83, %get3A_832, %get3A_833] : memref<2x128x128xf32, #tpu.memory_space<vmem>> -> memref<1x128x128xf32, #tpu.memory_space<vmem>>
          %get3A_835 = tpu.memref_squeeze %get3A_834 : memref<1x128x128xf32, #tpu.memory_space<vmem>> -> memref<128x128xf32, #tpu.memory_space<vmem>>
          %get3A_836 = arith.index_cast %add3A_698 : i32 to index
          %get3A_837 = arith.constant 112 : index
          %get3A_838 = tpu.vector_load %get3A_835[%get3A_836, %get3A_837] {strides = array<i32>} : memref<128x128xf32, #tpu.memory_space<vmem>>, vector<1x16xf32>,
          %get3A_839 = vector.shape_cast %get3A_838 : vector<1x16xf32> to vector<16xf32>
          %mul3A_840 = arith.mulf %get3A_831, %get3A_839 : vector<16xf32>
          %add3A_841 = arith.addf %add3A_823, %mul3A_840 : vector<16xf32>
          %xor3A_842 = arith.constant 8 : i32
          %xor3A_843 = vector.broadcast %xor3A_842 : i32 to vector<16xi32>
          %xor3A_844 = arith.xori %iota3A, %xor3A_843 : vector<16xi32>
          %broadcast_in_dim3A_845 = vector.shape_cast %xor3A_844 : vector<16xi32> to vector<16x1xi32>
          %gather3A_846 = vector.shape_cast %broadcast_in_dim3A_845 : vector<16x1xi32> to vector<16xi32>
          %gather3A_847 = tpu.dynamic_gather %add3A_841[%gather3A_846] in [0] : vector<16xf32>, vector<16xi32> -> vector<16xf32>
          %add3A_848 = arith.addf %add3A_841, %gather3A_847 : vector<16xf32>
          %xor3A_849 = arith.constant 4 : i32
          %xor3A_850 = vector.broadcast %xor3A_849 : i32 to vector<16xi32>
          %xor3A_851 = arith.xori %iota3A, %xor3A_850 : vector<16xi32>
          %broadcast_in_dim3A_852 = vector.shape_cast %xor3A_851 : vector<16xi32> to vector<16x1xi32>
          %gather3A_853 = vector.shape_cast %broadcast_in_dim3A_852 : vector<16x1xi32> to vector<16xi32>
          %gather3A_854 = tpu.dynamic_gather %add3A_848[%gather3A_853] in [0] : vector<16xf32>, vector<16xi32> -> vector<16xf32>
          %add3A_855 = arith.addf %add3A_848, %gather3A_854 : vector<16xf32>
          %xor3A_856 = arith.constant 2 : i32
          %xor3A_857 = vector.broadcast %xor3A_856 : i32 to vector<16xi32>
          %xor3A_858 = arith.xori %iota3A, %xor3A_857 : vector<16xi32>
          %broadcast_in_dim3A_859 = vector.shape_cast %xor3A_858 : vector<16xi32> to vector<16x1xi32>
          %gather3A_860 = vector.shape_cast %broadcast_in_dim3A_859 : vector<16x1xi32> to vector<16xi32>
          %gather3A_861 = tpu.dynamic_gather %add3A_855[%gather3A_860] in [0] : vector<16xf32>, vector<16xi32> -> vector<16xf32>
          %add3A_862 = arith.addf %add3A_855, %gather3A_861 : vector<16xf32>
          %xor3A_863 = arith.constant 1 : i32
          %xor3A_864 = vector.broadcast %xor3A_863 : i32 to vector<16xi32>
          %xor3A_865 = arith.xori %iota3A, %xor3A_864 : vector<16xi32>
          %broadcast_in_dim3A_866 = vector.shape_cast %xor3A_865 : vector<16xi32> to vector<16x1xi32>
          %gather3A_867 = vector.shape_cast %broadcast_in_dim3A_866 : vector<16x1xi32> to vector<16xi32>
          %gather3A_868 = tpu.dynamic_gather %add3A_862[%gather3A_867] in [0] : vector<16xf32>, vector<16xi32> -> vector<16xf32>
          %add3A_869 = arith.addf %add3A_862, %gather3A_868 : vector<16xf32>
          %and3A_870 = arith.constant 15 : i32
          %and3A_871 = arith.andi %add3A_698, %and3A_870 : i32
          %eq3A_872 = vector.broadcast %and3A_871 : i32 to vector<16xi32>
          %eq3A_873 = arith.cmpi eq, %iota3A, %eq3A_872 : vector<16xi32>
          %select_n3A_874 = arith.select %eq3A_873, %add3A_869, %select_n3A_693 : vector<16xi1>, vector<16xf32>
          scf.yield %select_n3A_874 : vector<16xf32>
        }
        %scan3A_150 = arith.constant 16 : i32
        %mul3A_151 = arith.constant 16 : i32
        %mul3A_152 = arith.muli %scan3A_143, %mul3A_151 : i32
        %add3A_153 = arith.addi %mul3A_80, %mul3A_152 : i32
        %swap3A = arith.index_cast %add3A_153 : i32 to index
        %swap3A_154 = tpu.vector_load %arg11[%swap3A] {strides = array<i32>} : memref<512xf32, #tpu.memory_space<vmem>>, vector<16xf32>,
        %swap3A_155 = vector.shape_cast %swap3A_154 : vector<16xf32> to vector<16xf32>
        %swap3A_156 = vector.shape_cast %scan3A_149 : vector<16xf32> to vector<16xf32>
        tpu.vector_store %arg11[%swap3A], %swap3A_156 {strides = array<i32>} : memref<512xf32, #tpu.memory_space<vmem>>, vector<16xf32>,
      }
      %scan3A_88 = arith.constant 8 : i32
      %add3A_89 = arith.constant 2 : i32
      %add3A_90 = arith.addi %mul3A_49, %add3A_89 : i32
      %lt3A = arith.constant 4 : i32
      %lt3A_91 = arith.cmpi slt, %add3A_90, %lt3A : i32
      %convert_element_type3A = arith.extui %lt3A_91 : i1 to i32
      %cond3A = arith.constant 0 : i32
      %cond3A_92 = arith.cmpi ne, %convert_element_type3A, %cond3A : i32
      scf.if %cond3A_92 {
        %add3A_143 = arith.constant 2 : i32
        %add3A_144 = arith.addi %mul3A_49, %add3A_143 : i32
        %mul3A_145 = arith.constant 128 : i32
        %mul3A_146 = arith.muli %add3A_144, %mul3A_145 : i32
        %dma_start3A_147 = arith.constant 0 : i32
        %dma_start3A_148 = arith.constant 0 : i32
        %dma_start3A_149 = arith.constant 0 : i32
        %dma_start3A_150 = tpu.memref_slice %arg9[%dma_start3A_147, %dma_start3A_148, %dma_start3A_149] : memref<2x128x128xf32, #tpu.memory_space<vmem>> -> memref<1x128x128xf32, #tpu.memory_space<vmem>>
        %dma_start3A_151 = tpu.memref_squeeze %dma_start3A_150 : memref<1x128x128xf32, #tpu.memory_space<vmem>> -> memref<128x128xf32, #tpu.memory_space<vmem>>
        %dma_start3A_152 = tpu.memref_slice %arg7[%mul3A_146] : memref<512xi32, #tpu.memory_space<vmem>> -> memref<128xi32, #tpu.memory_space<vmem>>
        %dma_start3A_153 = arith.constant 0 : i32
        %dma_start3A_154 = arith.constant 0 : i32
        %dma_start3A_155 = tpu.memref_slice %arg4[%dma_start3A_153, %dma_start3A_154] : memref<100000x128xf32, #tpu.memory_space<hbm>> -> memref<100000x128xf32, #tpu.memory_space<hbm>>
        tpu.enqueue_indirect_dma source(%dma_start3A_155 : memref<100000x128xf32, #tpu.memory_space<hbm>>) target(%dma_start3A_151 : memref<128x128xf32, #tpu.memory_space<vmem>>) offsets(%dma_start3A_152 : memref<128xi32, #tpu.memory_space<vmem>>) semaphore(%arg12 : memref<!tpu.dma_semaphore, #tpu.memory_space<semaphore_mem>>)
        %mul3A_156 = arith.constant 128 : i32
        %mul3A_157 = arith.muli %add3A_144, %mul3A_156 : i32
        %dma_start3A_158 = arith.constant 0 : i32
        %dma_start3A_159 = arith.constant 0 : i32
        %dma_start3A_160 = arith.constant 0 : i32
        %dma_start3A_161 = tpu.memref_slice %arg10[%dma_start3A_158, %dma_start3A_159, %dma_start3A_160] : memref<2x128x128xf32, #tpu.memory_space<vmem>> -> memref<1x128x128xf32, #tpu.memory_space<vmem>>
        %dma_start3A_162 = tpu.memref_squeeze %dma_start3A_161 : memref<1x128x128xf32, #tpu.memory_space<vmem>> -> memref<128x128xf32, #tpu.memory_space<vmem>>
        %dma_start3A_163 = tpu.memref_slice %arg8[%mul3A_157] : memref<512xi32, #tpu.memory_space<vmem>> -> memref<128xi32, #tpu.memory_space<vmem>>
        %dma_start3A_164 = arith.constant 0 : i32
        %dma_start3A_165 = arith.constant 0 : i32
        %dma_start3A_166 = tpu.memref_slice %arg5[%dma_start3A_164, %dma_start3A_165] : memref<100000x128xf32, #tpu.memory_space<hbm>> -> memref<100000x128xf32, #tpu.memory_space<hbm>>
        tpu.enqueue_indirect_dma source(%dma_start3A_166 : memref<100000x128xf32, #tpu.memory_space<hbm>>) target(%dma_start3A_162 : memref<128x128xf32, #tpu.memory_space<vmem>>) offsets(%dma_start3A_163 : memref<128xi32, #tpu.memory_space<vmem>>) semaphore(%arg13 : memref<!tpu.dma_semaphore, #tpu.memory_space<semaphore_mem>>)
      } else {
      }
      %dma_wait3A_93 = arith.constant 1 : i32
      %dma_wait3A_94 = arith.constant 0 : i32
      %dma_wait3A_95 = arith.constant 0 : i32
      %dma_wait3A_96 = tpu.memref_slice %arg9[%dma_wait3A_93, %dma_wait3A_94, %dma_wait3A_95] : memref<2x128x128xf32, #tpu.memory_space<vmem>> -> memref<1x128x128xf32, #tpu.memory_space<vmem>>
      %dma_wait3A_97 = tpu.memref_squeeze %dma_wait3A_96 : memref<1x128x128xf32, #tpu.memory_space<vmem>> -> memref<128x128xf32, #tpu.memory_space<vmem>>
      %dma_wait3A_98 = arith.constant 0 : i32
      %dma_wait3A_99 = arith.constant 0 : i32
      %dma_wait3A_100 = tpu.memref_slice %arg4[%dma_wait3A_98, %dma_wait3A_99] : memref<100000x128xf32, #tpu.memory_space<hbm>> -> memref<128x128xf32, #tpu.memory_space<hbm>>
      %dma_wait3A_101 = arith.constant 0 : i32
      %dma_wait3A_102 = arith.constant 0 : i32
      %dma_wait3A_103 = tpu.memref_slice %arg9[%dma_wait3A_93, %dma_wait3A_101, %dma_wait3A_102] : memref<2x128x128xf32, #tpu.memory_space<vmem>> -> memref<1x128x128xf32, #tpu.memory_space<vmem>>
      %dma_wait3A_104 = tpu.memref_squeeze %dma_wait3A_103 : memref<1x128x128xf32, #tpu.memory_space<vmem>> -> memref<128x128xf32, #tpu.memory_space<vmem>>
      %dma_wait3A_105 = arith.constant 0 : i32
      %dma_wait3A_106 = arith.constant 0 : i32
      %dma_wait3A_107 = tpu.memref_slice %arg4[%dma_wait3A_105, %dma_wait3A_106] : memref<100000x128xf32, #tpu.memory_space<hbm>> -> memref<128x128xf32, #tpu.memory_space<hbm>>
      tpu.wait_dma2 semaphore(%arg14 : memref<!tpu.dma_semaphore, #tpu.memory_space<semaphore_mem>>) src(%dma_wait3A_107 : memref<128x128xf32, #tpu.memory_space<hbm>>) dst(%dma_wait3A_104 : memref<128x128xf32, #tpu.memory_space<vmem>>)
      %dma_wait3A_108 = arith.constant 1 : i32
      %dma_wait3A_109 = arith.constant 0 : i32
      %dma_wait3A_110 = arith.constant 0 : i32
      %dma_wait3A_111 = tpu.memref_slice %arg10[%dma_wait3A_108, %dma_wait3A_109, %dma_wait3A_110] : memref<2x128x128xf32, #tpu.memory_space<vmem>> -> memref<1x128x128xf32, #tpu.memory_space<vmem>>
      %dma_wait3A_112 = tpu.memref_squeeze %dma_wait3A_111 : memref<1x128x128xf32, #tpu.memory_space<vmem>> -> memref<128x128xf32, #tpu.memory_space<vmem>>
      %dma_wait3A_113 = arith.constant 0 : i32
      %dma_wait3A_114 = arith.constant 0 : i32
      %dma_wait3A_115 = tpu.memref_slice %arg5[%dma_wait3A_113, %dma_wait3A_114] : memref<100000x128xf32, #tpu.memory_space<hbm>> -> memref<128x128xf32, #tpu.memory_space<hbm>>
      %dma_wait3A_116 = arith.constant 0 : i32
      %dma_wait3A_117 = arith.constant 0 : i32
      %dma_wait3A_118 = tpu.memref_slice %arg10[%dma_wait3A_108, %dma_wait3A_116, %dma_wait3A_117] : memref<2x128x128xf32, #tpu.memory_space<vmem>> -> memref<1x128x128xf32, #tpu.memory_space<vmem>>
      %dma_wait3A_119 = tpu.memref_squeeze %dma_wait3A_118 : memref<1x128x128xf32, #tpu.memory_space<vmem>> -> memref<128x128xf32, #tpu.memory_space<vmem>>
      %dma_wait3A_120 = arith.constant 0 : i32
      %dma_wait3A_121 = arith.constant 0 : i32
      %dma_wait3A_122 = tpu.memref_slice %arg5[%dma_wait3A_120, %dma_wait3A_121] : memref<100000x128xf32, #tpu.memory_space<hbm>> -> memref<128x128xf32, #tpu.memory_space<hbm>>
      tpu.wait_dma2 semaphore(%arg15 : memref<!tpu.dma_semaphore, #tpu.memory_space<semaphore_mem>>) src(%dma_wait3A_122 : memref<128x128xf32, #tpu.memory_space<hbm>>) dst(%dma_wait3A_119 : memref<128x128xf32, #tpu.memory_space<vmem>>)
      %add3A_123 = arith.constant 1 : i32
      %add3A_124 = arith.addi %mul3A_49, %add3A_123 : i32
      %mul3A_125 = arith.constant 128 : i32
      %mul3A_126 = arith.muli %add3A_124, %mul3A_125 : i32
      %iota3A_127 = tpu.iota {dimensions = array<i32: 0>} : vector<16xi32>
      %scan3A_128 = arith.constant 0 : i32
      %scan3A_129 = arith.constant 1 : i32
      %scan3A_130 = arith.constant 1 : i32
      %scan3A_131 = arith.constant 0 : i32
      %scan3A_132 = arith.constant 8 : i32
      %scan3A_133 = arith.addi %scan3A_131, %scan3A_132 : i32
      %scan3A_134 = arith.constant 1 : i32
      scf.for %scan3A_143 = %scan3A_131 to %scan3A_133 step %scan3A_134  : i32 {
        %broadcast_in_dim3A = arith.constant 0.000000e+00 : f32
        %broadcast_in_dim3A_144 = vector.broadcast %broadcast_in_dim3A : f32 to vector<16xf32>
        %scan3A_145 = arith.constant 0 : i32
        %scan3A_146 = arith.constant 16 : i32
        %scan3A_147 = arith.addi %scan3A_145, %scan3A_146 : i32
        %scan3A_148 = arith.constant 4 : i32
        %scan3A_149 = scf.for %scan3A_157 = %scan3A_145 to %scan3A_147 step %scan3A_148 iter_args(%scan3A_158 = %broadcast_in_dim3A_144) -> (vector<16xf32>)  : i32 {
          %mul3A_159 = arith.constant 16 : i32
          %mul3A_160 = arith.muli %scan3A_143, %mul3A_159 : i32
          %add3A_161 = arith.addi %mul3A_160, %scan3A_157 : i32
          %get3A = arith.constant 0 : i32
          %get3A_162 = arith.constant 0 : i32
          %get3A_163 = tpu.memref_slice %arg9[%scan3A_129, %get3A, %get3A_162] : memref<2x128x128xf32, #tpu.memory_space<vmem>> -> memref<1x128x128xf32, #tpu.memory_space<vmem>>
          %get3A_164 = tpu.memref_squeeze %get3A_163 : memref<1x128x128xf32, #tpu.memory_space<vmem>> -> memref<128x128xf32, #tpu.memory_space<vmem>>
          %get3A_165 = arith.index_cast %add3A_161 : i32 to index
          %get3A_166 = arith.constant 0 : index
          %get3A_167 = tpu.vector_load %get3A_164[%get3A_165, %get3A_166] {strides = array<i32>} : memref<128x128xf32, #tpu.memory_space<vmem>>, vector<1x16xf32>,
          %get3A_168 = vector.shape_cast %get3A_167 : vector<1x16xf32> to vector<16xf32>
          %get3A_169 = arith.constant 0 : i32
          %get3A_170 = arith.constant 0 : i32
          %get3A_171 = tpu.memref_slice %arg10[%scan3A_130, %get3A_169, %get3A_170] : memref<2x128x128xf32, #tpu.memory_space<vmem>> -> memref<1x128x128xf32, #tpu.memory_space<vmem>>
          %get3A_172 = tpu.memref_squeeze %get3A_171 : memref<1x128x128xf32, #tpu.memory_space<vmem>> -> memref<128x128xf32, #tpu.memory_space<vmem>>
          %get3A_173 = arith.index_cast %add3A_161 : i32 to index
          %get3A_174 = arith.constant 0 : index
          %get3A_175 = tpu.vector_load %get3A_172[%get3A_173, %get3A_174] {strides = array<i32>} : memref<128x128xf32, #tpu.memory_space<vmem>>, vector<1x16xf32>,
          %get3A_176 = vector.shape_cast %get3A_175 : vector<1x16xf32> to vector<16xf32>
          %mul3A_177 = arith.mulf %get3A_168, %get3A_176 : vector<16xf32>
          %get3A_178 = arith.constant 0 : i32
          %get3A_179 = arith.constant 0 : i32
          %get3A_180 = tpu.memref_slice %arg9[%scan3A_129, %get3A_178, %get3A_179] : memref<2x128x128xf32, #tpu.memory_space<vmem>> -> memref<1x128x128xf32, #tpu.memory_space<vmem>>
          %get3A_181 = tpu.memref_squeeze %get3A_180 : memref<1x128x128xf32, #tpu.memory_space<vmem>> -> memref<128x128xf32, #tpu.memory_space<vmem>>
          %get3A_182 = arith.index_cast %add3A_161 : i32 to index
          %get3A_183 = arith.constant 16 : index
          %get3A_184 = tpu.vector_load %get3A_181[%get3A_182, %get3A_183] {strides = array<i32>} : memref<128x128xf32, #tpu.memory_space<vmem>>, vector<1x16xf32>,
          %get3A_185 = vector.shape_cast %get3A_184 : vector<1x16xf32> to vector<16xf32>
          %get3A_186 = arith.constant 0 : i32
          %get3A_187 = arith.constant 0 : i32
          %get3A_188 = tpu.memref_slice %arg10[%scan3A_130, %get3A_186, %get3A_187] : memref<2x128x128xf32, #tpu.memory_space<vmem>> -> memref<1x128x128xf32, #tpu.memory_space<vmem>>
          %get3A_189 = tpu.memref_squeeze %get3A_188 : memref<1x128x128xf32, #tpu.memory_space<vmem>> -> memref<128x128xf32, #tpu.memory_space<vmem>>
          %get3A_190 = arith.index_cast %add3A_161 : i32 to index
          %get3A_191 = arith.constant 16 : index
          %get3A_192 = tpu.vector_load %get3A_189[%get3A_190, %get3A_191] {strides = array<i32>} : memref<128x128xf32, #tpu.memory_space<vmem>>, vector<1x16xf32>,
          %get3A_193 = vector.shape_cast %get3A_192 : vector<1x16xf32> to vector<16xf32>
          %mul3A_194 = arith.mulf %get3A_185, %get3A_193 : vector<16xf32>
          %add3A_195 = arith.addf %mul3A_177, %mul3A_194 : vector<16xf32>
          %get3A_196 = arith.constant 0 : i32
          %get3A_197 = arith.constant 0 : i32
          %get3A_198 = tpu.memref_slice %arg9[%scan3A_129, %get3A_196, %get3A_197] : memref<2x128x128xf32, #tpu.memory_space<vmem>> -> memref<1x128x128xf32, #tpu.memory_space<vmem>>
          %get3A_199 = tpu.memref_squeeze %get3A_198 : memref<1x128x128xf32, #tpu.memory_space<vmem>> -> memref<128x128xf32, #tpu.memory_space<vmem>>
          %get3A_200 = arith.index_cast %add3A_161 : i32 to index
          %get3A_201 = arith.constant 32 : index
          %get3A_202 = tpu.vector_load %get3A_199[%get3A_200, %get3A_201] {strides = array<i32>} : memref<128x128xf32, #tpu.memory_space<vmem>>, vector<1x16xf32>,
          %get3A_203 = vector.shape_cast %get3A_202 : vector<1x16xf32> to vector<16xf32>
          %get3A_204 = arith.constant 0 : i32
          %get3A_205 = arith.constant 0 : i32
          %get3A_206 = tpu.memref_slice %arg10[%scan3A_130, %get3A_204, %get3A_205] : memref<2x128x128xf32, #tpu.memory_space<vmem>> -> memref<1x128x128xf32, #tpu.memory_space<vmem>>
          %get3A_207 = tpu.memref_squeeze %get3A_206 : memref<1x128x128xf32, #tpu.memory_space<vmem>> -> memref<128x128xf32, #tpu.memory_space<vmem>>
          %get3A_208 = arith.index_cast %add3A_161 : i32 to index
          %get3A_209 = arith.constant 32 : index
          %get3A_210 = tpu.vector_load %get3A_207[%get3A_208, %get3A_209] {strides = array<i32>} : memref<128x128xf32, #tpu.memory_space<vmem>>, vector<1x16xf32>,
          %get3A_211 = vector.shape_cast %get3A_210 : vector<1x16xf32> to vector<16xf32>
          %mul3A_212 = arith.mulf %get3A_203, %get3A_211 : vector<16xf32>
          %add3A_213 = arith.addf %add3A_195, %mul3A_212 : vector<16xf32>
          %get3A_214 = arith.constant 0 : i32
          %get3A_215 = arith.constant 0 : i32
          %get3A_216 = tpu.memref_slice %arg9[%scan3A_129, %get3A_214, %get3A_215] : memref<2x128x128xf32, #tpu.memory_space<vmem>> -> memref<1x128x128xf32, #tpu.memory_space<vmem>>
          %get3A_217 = tpu.memref_squeeze %get3A_216 : memref<1x128x128xf32, #tpu.memory_space<vmem>> -> memref<128x128xf32, #tpu.memory_space<vmem>>
          %get3A_218 = arith.index_cast %add3A_161 : i32 to index
          %get3A_219 = arith.constant 48 : index
          %get3A_220 = tpu.vector_load %get3A_217[%get3A_218, %get3A_219] {strides = array<i32>} : memref<128x128xf32, #tpu.memory_space<vmem>>, vector<1x16xf32>,
          %get3A_221 = vector.shape_cast %get3A_220 : vector<1x16xf32> to vector<16xf32>
          %get3A_222 = arith.constant 0 : i32
          %get3A_223 = arith.constant 0 : i32
          %get3A_224 = tpu.memref_slice %arg10[%scan3A_130, %get3A_222, %get3A_223] : memref<2x128x128xf32, #tpu.memory_space<vmem>> -> memref<1x128x128xf32, #tpu.memory_space<vmem>>
          %get3A_225 = tpu.memref_squeeze %get3A_224 : memref<1x128x128xf32, #tpu.memory_space<vmem>> -> memref<128x128xf32, #tpu.memory_space<vmem>>
          %get3A_226 = arith.index_cast %add3A_161 : i32 to index
          %get3A_227 = arith.constant 48 : index
          %get3A_228 = tpu.vector_load %get3A_225[%get3A_226, %get3A_227] {strides = array<i32>} : memref<128x128xf32, #tpu.memory_space<vmem>>, vector<1x16xf32>,
          %get3A_229 = vector.shape_cast %get3A_228 : vector<1x16xf32> to vector<16xf32>
          %mul3A_230 = arith.mulf %get3A_221, %get3A_229 : vector<16xf32>
          %add3A_231 = arith.addf %add3A_213, %mul3A_230 : vector<16xf32>
          %get3A_232 = arith.constant 0 : i32
          %get3A_233 = arith.constant 0 : i32
          %get3A_234 = tpu.memref_slice %arg9[%scan3A_129, %get3A_232, %get3A_233] : memref<2x128x128xf32, #tpu.memory_space<vmem>> -> memref<1x128x128xf32, #tpu.memory_space<vmem>>
          %get3A_235 = tpu.memref_squeeze %get3A_234 : memref<1x128x128xf32, #tpu.memory_space<vmem>> -> memref<128x128xf32, #tpu.memory_space<vmem>>
          %get3A_236 = arith.index_cast %add3A_161 : i32 to index
          %get3A_237 = arith.constant 64 : index
          %get3A_238 = tpu.vector_load %get3A_235[%get3A_236, %get3A_237] {strides = array<i32>} : memref<128x128xf32, #tpu.memory_space<vmem>>, vector<1x16xf32>,
          %get3A_239 = vector.shape_cast %get3A_238 : vector<1x16xf32> to vector<16xf32>
          %get3A_240 = arith.constant 0 : i32
          %get3A_241 = arith.constant 0 : i32
          %get3A_242 = tpu.memref_slice %arg10[%scan3A_130, %get3A_240, %get3A_241] : memref<2x128x128xf32, #tpu.memory_space<vmem>> -> memref<1x128x128xf32, #tpu.memory_space<vmem>>
          %get3A_243 = tpu.memref_squeeze %get3A_242 : memref<1x128x128xf32, #tpu.memory_space<vmem>> -> memref<128x128xf32, #tpu.memory_space<vmem>>
          %get3A_244 = arith.index_cast %add3A_161 : i32 to index
          %get3A_245 = arith.constant 64 : index
          %get3A_246 = tpu.vector_load %get3A_243[%get3A_244, %get3A_245] {strides = array<i32>} : memref<128x128xf32, #tpu.memory_space<vmem>>, vector<1x16xf32>,
          %get3A_247 = vector.shape_cast %get3A_246 : vector<1x16xf32> to vector<16xf32>
          %mul3A_248 = arith.mulf %get3A_239, %get3A_247 : vector<16xf32>
          %add3A_249 = arith.addf %add3A_231, %mul3A_248 : vector<16xf32>
          %get3A_250 = arith.constant 0 : i32
          %get3A_251 = arith.constant 0 : i32
          %get3A_252 = tpu.memref_slice %arg9[%scan3A_129, %get3A_250, %get3A_251] : memref<2x128x128xf32, #tpu.memory_space<vmem>> -> memref<1x128x128xf32, #tpu.memory_space<vmem>>
          %get3A_253 = tpu.memref_squeeze %get3A_252 : memref<1x128x128xf32, #tpu.memory_space<vmem>> -> memref<128x128xf32, #tpu.memory_space<vmem>>
          %get3A_254 = arith.index_cast %add3A_161 : i32 to index
          %get3A_255 = arith.constant 80 : index
          %get3A_256 = tpu.vector_load %get3A_253[%get3A_254, %get3A_255] {strides = array<i32>} : memref<128x128xf32, #tpu.memory_space<vmem>>, vector<1x16xf32>,
          %get3A_257 = vector.shape_cast %get3A_256 : vector<1x16xf32> to vector<16xf32>
          %get3A_258 = arith.constant 0 : i32
          %get3A_259 = arith.constant 0 : i32
          %get3A_260 = tpu.memref_slice %arg10[%scan3A_130, %get3A_258, %get3A_259] : memref<2x128x128xf32, #tpu.memory_space<vmem>> -> memref<1x128x128xf32, #tpu.memory_space<vmem>>
          %get3A_261 = tpu.memref_squeeze %get3A_260 : memref<1x128x128xf32, #tpu.memory_space<vmem>> -> memref<128x128xf32, #tpu.memory_space<vmem>>
          %get3A_262 = arith.index_cast %add3A_161 : i32 to index
          %get3A_263 = arith.constant 80 : index
          %get3A_264 = tpu.vector_load %get3A_261[%get3A_262, %get3A_263] {strides = array<i32>} : memref<128x128xf32, #tpu.memory_space<vmem>>, vector<1x16xf32>,
          %get3A_265 = vector.shape_cast %get3A_264 : vector<1x16xf32> to vector<16xf32>
          %mul3A_266 = arith.mulf %get3A_257, %get3A_265 : vector<16xf32>
          %add3A_267 = arith.addf %add3A_249, %mul3A_266 : vector<16xf32>
          %get3A_268 = arith.constant 0 : i32
          %get3A_269 = arith.constant 0 : i32
          %get3A_270 = tpu.memref_slice %arg9[%scan3A_129, %get3A_268, %get3A_269] : memref<2x128x128xf32, #tpu.memory_space<vmem>> -> memref<1x128x128xf32, #tpu.memory_space<vmem>>
          %get3A_271 = tpu.memref_squeeze %get3A_270 : memref<1x128x128xf32, #tpu.memory_space<vmem>> -> memref<128x128xf32, #tpu.memory_space<vmem>>
          %get3A_272 = arith.index_cast %add3A_161 : i32 to index
          %get3A_273 = arith.constant 96 : index
          %get3A_274 = tpu.vector_load %get3A_271[%get3A_272, %get3A_273] {strides = array<i32>} : memref<128x128xf32, #tpu.memory_space<vmem>>, vector<1x16xf32>,
          %get3A_275 = vector.shape_cast %get3A_274 : vector<1x16xf32> to vector<16xf32>
          %get3A_276 = arith.constant 0 : i32
          %get3A_277 = arith.constant 0 : i32
          %get3A_278 = tpu.memref_slice %arg10[%scan3A_130, %get3A_276, %get3A_277] : memref<2x128x128xf32, #tpu.memory_space<vmem>> -> memref<1x128x128xf32, #tpu.memory_space<vmem>>
          %get3A_279 = tpu.memref_squeeze %get3A_278 : memref<1x128x128xf32, #tpu.memory_space<vmem>> -> memref<128x128xf32, #tpu.memory_space<vmem>>
          %get3A_280 = arith.index_cast %add3A_161 : i32 to index
          %get3A_281 = arith.constant 96 : index
          %get3A_282 = tpu.vector_load %get3A_279[%get3A_280, %get3A_281] {strides = array<i32>} : memref<128x128xf32, #tpu.memory_space<vmem>>, vector<1x16xf32>,
          %get3A_283 = vector.shape_cast %get3A_282 : vector<1x16xf32> to vector<16xf32>
          %mul3A_284 = arith.mulf %get3A_275, %get3A_283 : vector<16xf32>
          %add3A_285 = arith.addf %add3A_267, %mul3A_284 : vector<16xf32>
          %get3A_286 = arith.constant 0 : i32
          %get3A_287 = arith.constant 0 : i32
          %get3A_288 = tpu.memref_slice %arg9[%scan3A_129, %get3A_286, %get3A_287] : memref<2x128x128xf32, #tpu.memory_space<vmem>> -> memref<1x128x128xf32, #tpu.memory_space<vmem>>
          %get3A_289 = tpu.memref_squeeze %get3A_288 : memref<1x128x128xf32, #tpu.memory_space<vmem>> -> memref<128x128xf32, #tpu.memory_space<vmem>>
          %get3A_290 = arith.index_cast %add3A_161 : i32 to index
          %get3A_291 = arith.constant 112 : index
          %get3A_292 = tpu.vector_load %get3A_289[%get3A_290, %get3A_291] {strides = array<i32>} : memref<128x128xf32, #tpu.memory_space<vmem>>, vector<1x16xf32>,
          %get3A_293 = vector.shape_cast %get3A_292 : vector<1x16xf32> to vector<16xf32>
          %get3A_294 = arith.constant 0 : i32
          %get3A_295 = arith.constant 0 : i32
          %get3A_296 = tpu.memref_slice %arg10[%scan3A_130, %get3A_294, %get3A_295] : memref<2x128x128xf32, #tpu.memory_space<vmem>> -> memref<1x128x128xf32, #tpu.memory_space<vmem>>
          %get3A_297 = tpu.memref_squeeze %get3A_296 : memref<1x128x128xf32, #tpu.memory_space<vmem>> -> memref<128x128xf32, #tpu.memory_space<vmem>>
          %get3A_298 = arith.index_cast %add3A_161 : i32 to index
          %get3A_299 = arith.constant 112 : index
          %get3A_300 = tpu.vector_load %get3A_297[%get3A_298, %get3A_299] {strides = array<i32>} : memref<128x128xf32, #tpu.memory_space<vmem>>, vector<1x16xf32>,
          %get3A_301 = vector.shape_cast %get3A_300 : vector<1x16xf32> to vector<16xf32>
          %mul3A_302 = arith.mulf %get3A_293, %get3A_301 : vector<16xf32>
          %add3A_303 = arith.addf %add3A_285, %mul3A_302 : vector<16xf32>
          %xor3A = arith.constant 8 : i32
          %xor3A_304 = vector.broadcast %xor3A : i32 to vector<16xi32>
          %xor3A_305 = arith.xori %iota3A_127, %xor3A_304 : vector<16xi32>
          %broadcast_in_dim3A_306 = vector.shape_cast %xor3A_305 : vector<16xi32> to vector<16x1xi32>
          %gather3A = vector.shape_cast %broadcast_in_dim3A_306 : vector<16x1xi32> to vector<16xi32>
          %gather3A_307 = tpu.dynamic_gather %add3A_303[%gather3A] in [0] : vector<16xf32>, vector<16xi32> -> vector<16xf32>
          %add3A_308 = arith.addf %add3A_303, %gather3A_307 : vector<16xf32>
          %xor3A_309 = arith.constant 4 : i32
          %xor3A_310 = vector.broadcast %xor3A_309 : i32 to vector<16xi32>
          %xor3A_311 = arith.xori %iota3A_127, %xor3A_310 : vector<16xi32>
          %broadcast_in_dim3A_312 = vector.shape_cast %xor3A_311 : vector<16xi32> to vector<16x1xi32>
          %gather3A_313 = vector.shape_cast %broadcast_in_dim3A_312 : vector<16x1xi32> to vector<16xi32>
          %gather3A_314 = tpu.dynamic_gather %add3A_308[%gather3A_313] in [0] : vector<16xf32>, vector<16xi32> -> vector<16xf32>
          %add3A_315 = arith.addf %add3A_308, %gather3A_314 : vector<16xf32>
          %xor3A_316 = arith.constant 2 : i32
          %xor3A_317 = vector.broadcast %xor3A_316 : i32 to vector<16xi32>
          %xor3A_318 = arith.xori %iota3A_127, %xor3A_317 : vector<16xi32>
          %broadcast_in_dim3A_319 = vector.shape_cast %xor3A_318 : vector<16xi32> to vector<16x1xi32>
          %gather3A_320 = vector.shape_cast %broadcast_in_dim3A_319 : vector<16x1xi32> to vector<16xi32>
          %gather3A_321 = tpu.dynamic_gather %add3A_315[%gather3A_320] in [0] : vector<16xf32>, vector<16xi32> -> vector<16xf32>
          %add3A_322 = arith.addf %add3A_315, %gather3A_321 : vector<16xf32>
          %xor3A_323 = arith.constant 1 : i32
          %xor3A_324 = vector.broadcast %xor3A_323 : i32 to vector<16xi32>
          %xor3A_325 = arith.xori %iota3A_127, %xor3A_324 : vector<16xi32>
          %broadcast_in_dim3A_326 = vector.shape_cast %xor3A_325 : vector<16xi32> to vector<16x1xi32>
          %gather3A_327 = vector.shape_cast %broadcast_in_dim3A_326 : vector<16x1xi32> to vector<16xi32>
          %gather3A_328 = tpu.dynamic_gather %add3A_322[%gather3A_327] in [0] : vector<16xf32>, vector<16xi32> -> vector<16xf32>
          %add3A_329 = arith.addf %add3A_322, %gather3A_328 : vector<16xf32>
          %and3A = arith.constant 15 : i32
          %and3A_330 = arith.andi %add3A_161, %and3A : i32
          %eq3A = vector.broadcast %and3A_330 : i32 to vector<16xi32>
          %eq3A_331 = arith.cmpi eq, %iota3A_127, %eq3A : vector<16xi32>
          %select_n3A = arith.select %eq3A_331, %add3A_329, %scan3A_158 : vector<16xi1>, vector<16xf32>
          %scan3A_332 = arith.constant 1 : i32
          %scan3A_333 = arith.addi %scan3A_157, %scan3A_332 : i32
          %mul3A_334 = arith.constant 16 : i32
          %mul3A_335 = arith.muli %scan3A_143, %mul3A_334 : i32
          %add3A_336 = arith.addi %mul3A_335, %scan3A_333 : i32
          %get3A_337 = arith.constant 0 : i32
          %get3A_338 = arith.constant 0 : i32
          %get3A_339 = tpu.memref_slice %arg9[%scan3A_129, %get3A_337, %get3A_338] : memref<2x128x128xf32, #tpu.memory_space<vmem>> -> memref<1x128x128xf32, #tpu.memory_space<vmem>>
          %get3A_340 = tpu.memref_squeeze %get3A_339 : memref<1x128x128xf32, #tpu.memory_space<vmem>> -> memref<128x128xf32, #tpu.memory_space<vmem>>
          %get3A_341 = arith.index_cast %add3A_336 : i32 to index
          %get3A_342 = arith.constant 0 : index
          %get3A_343 = tpu.vector_load %get3A_340[%get3A_341, %get3A_342] {strides = array<i32>} : memref<128x128xf32, #tpu.memory_space<vmem>>, vector<1x16xf32>,
          %get3A_344 = vector.shape_cast %get3A_343 : vector<1x16xf32> to vector<16xf32>
          %get3A_345 = arith.constant 0 : i32
          %get3A_346 = arith.constant 0 : i32
          %get3A_347 = tpu.memref_slice %arg10[%scan3A_130, %get3A_345, %get3A_346] : memref<2x128x128xf32, #tpu.memory_space<vmem>> -> memref<1x128x128xf32, #tpu.memory_space<vmem>>
          %get3A_348 = tpu.memref_squeeze %get3A_347 : memref<1x128x128xf32, #tpu.memory_space<vmem>> -> memref<128x128xf32, #tpu.memory_space<vmem>>
          %get3A_349 = arith.index_cast %add3A_336 : i32 to index
          %get3A_350 = arith.constant 0 : index
          %get3A_351 = tpu.vector_load %get3A_348[%get3A_349, %get3A_350] {strides = array<i32>} : memref<128x128xf32, #tpu.memory_space<vmem>>, vector<1x16xf32>,
          %get3A_352 = vector.shape_cast %get3A_351 : vector<1x16xf32> to vector<16xf32>
          %mul3A_353 = arith.mulf %get3A_344, %get3A_352 : vector<16xf32>
          %get3A_354 = arith.constant 0 : i32
          %get3A_355 = arith.constant 0 : i32
          %get3A_356 = tpu.memref_slice %arg9[%scan3A_129, %get3A_354, %get3A_355] : memref<2x128x128xf32, #tpu.memory_space<vmem>> -> memref<1x128x128xf32, #tpu.memory_space<vmem>>
          %get3A_357 = tpu.memref_squeeze %get3A_356 : memref<1x128x128xf32, #tpu.memory_space<vmem>> -> memref<128x128xf32, #tpu.memory_space<vmem>>
          %get3A_358 = arith.index_cast %add3A_336 : i32 to index
          %get3A_359 = arith.constant 16 : index
          %get3A_360 = tpu.vector_load %get3A_357[%get3A_358, %get3A_359] {strides = array<i32>} : memref<128x128xf32, #tpu.memory_space<vmem>>, vector<1x16xf32>,
          %get3A_361 = vector.shape_cast %get3A_360 : vector<1x16xf32> to vector<16xf32>
          %get3A_362 = arith.constant 0 : i32
          %get3A_363 = arith.constant 0 : i32
          %get3A_364 = tpu.memref_slice %arg10[%scan3A_130, %get3A_362, %get3A_363] : memref<2x128x128xf32, #tpu.memory_space<vmem>> -> memref<1x128x128xf32, #tpu.memory_space<vmem>>
          %get3A_365 = tpu.memref_squeeze %get3A_364 : memref<1x128x128xf32, #tpu.memory_space<vmem>> -> memref<128x128xf32, #tpu.memory_space<vmem>>
          %get3A_366 = arith.index_cast %add3A_336 : i32 to index
          %get3A_367 = arith.constant 16 : index
          %get3A_368 = tpu.vector_load %get3A_365[%get3A_366, %get3A_367] {strides = array<i32>} : memref<128x128xf32, #tpu.memory_space<vmem>>, vector<1x16xf32>,
          %get3A_369 = vector.shape_cast %get3A_368 : vector<1x16xf32> to vector<16xf32>
          %mul3A_370 = arith.mulf %get3A_361, %get3A_369 : vector<16xf32>
          %add3A_371 = arith.addf %mul3A_353, %mul3A_370 : vector<16xf32>
          %get3A_372 = arith.constant 0 : i32
          %get3A_373 = arith.constant 0 : i32
          %get3A_374 = tpu.memref_slice %arg9[%scan3A_129, %get3A_372, %get3A_373] : memref<2x128x128xf32, #tpu.memory_space<vmem>> -> memref<1x128x128xf32, #tpu.memory_space<vmem>>
          %get3A_375 = tpu.memref_squeeze %get3A_374 : memref<1x128x128xf32, #tpu.memory_space<vmem>> -> memref<128x128xf32, #tpu.memory_space<vmem>>
          %get3A_376 = arith.index_cast %add3A_336 : i32 to index
          %get3A_377 = arith.constant 32 : index
          %get3A_378 = tpu.vector_load %get3A_375[%get3A_376, %get3A_377] {strides = array<i32>} : memref<128x128xf32, #tpu.memory_space<vmem>>, vector<1x16xf32>,
          %get3A_379 = vector.shape_cast %get3A_378 : vector<1x16xf32> to vector<16xf32>
          %get3A_380 = arith.constant 0 : i32
          %get3A_381 = arith.constant 0 : i32
          %get3A_382 = tpu.memref_slice %arg10[%scan3A_130, %get3A_380, %get3A_381] : memref<2x128x128xf32, #tpu.memory_space<vmem>> -> memref<1x128x128xf32, #tpu.memory_space<vmem>>
          %get3A_383 = tpu.memref_squeeze %get3A_382 : memref<1x128x128xf32, #tpu.memory_space<vmem>> -> memref<128x128xf32, #tpu.memory_space<vmem>>
          %get3A_384 = arith.index_cast %add3A_336 : i32 to index
          %get3A_385 = arith.constant 32 : index
          %get3A_386 = tpu.vector_load %get3A_383[%get3A_384, %get3A_385] {strides = array<i32>} : memref<128x128xf32, #tpu.memory_space<vmem>>, vector<1x16xf32>,
          %get3A_387 = vector.shape_cast %get3A_386 : vector<1x16xf32> to vector<16xf32>
          %mul3A_388 = arith.mulf %get3A_379, %get3A_387 : vector<16xf32>
          %add3A_389 = arith.addf %add3A_371, %mul3A_388 : vector<16xf32>
          %get3A_390 = arith.constant 0 : i32
          %get3A_391 = arith.constant 0 : i32
          %get3A_392 = tpu.memref_slice %arg9[%scan3A_129, %get3A_390, %get3A_391] : memref<2x128x128xf32, #tpu.memory_space<vmem>> -> memref<1x128x128xf32, #tpu.memory_space<vmem>>
          %get3A_393 = tpu.memref_squeeze %get3A_392 : memref<1x128x128xf32, #tpu.memory_space<vmem>> -> memref<128x128xf32, #tpu.memory_space<vmem>>
          %get3A_394 = arith.index_cast %add3A_336 : i32 to index
          %get3A_395 = arith.constant 48 : index
          %get3A_396 = tpu.vector_load %get3A_393[%get3A_394, %get3A_395] {strides = array<i32>} : memref<128x128xf32, #tpu.memory_space<vmem>>, vector<1x16xf32>,
          %get3A_397 = vector.shape_cast %get3A_396 : vector<1x16xf32> to vector<16xf32>
          %get3A_398 = arith.constant 0 : i32
          %get3A_399 = arith.constant 0 : i32
          %get3A_400 = tpu.memref_slice %arg10[%scan3A_130, %get3A_398, %get3A_399] : memref<2x128x128xf32, #tpu.memory_space<vmem>> -> memref<1x128x128xf32, #tpu.memory_space<vmem>>
          %get3A_401 = tpu.memref_squeeze %get3A_400 : memref<1x128x128xf32, #tpu.memory_space<vmem>> -> memref<128x128xf32, #tpu.memory_space<vmem>>
          %get3A_402 = arith.index_cast %add3A_336 : i32 to index
          %get3A_403 = arith.constant 48 : index
          %get3A_404 = tpu.vector_load %get3A_401[%get3A_402, %get3A_403] {strides = array<i32>} : memref<128x128xf32, #tpu.memory_space<vmem>>, vector<1x16xf32>,
          %get3A_405 = vector.shape_cast %get3A_404 : vector<1x16xf32> to vector<16xf32>
          %mul3A_406 = arith.mulf %get3A_397, %get3A_405 : vector<16xf32>
          %add3A_407 = arith.addf %add3A_389, %mul3A_406 : vector<16xf32>
          %get3A_408 = arith.constant 0 : i32
          %get3A_409 = arith.constant 0 : i32
          %get3A_410 = tpu.memref_slice %arg9[%scan3A_129, %get3A_408, %get3A_409] : memref<2x128x128xf32, #tpu.memory_space<vmem>> -> memref<1x128x128xf32, #tpu.memory_space<vmem>>
          %get3A_411 = tpu.memref_squeeze %get3A_410 : memref<1x128x128xf32, #tpu.memory_space<vmem>> -> memref<128x128xf32, #tpu.memory_space<vmem>>
          %get3A_412 = arith.index_cast %add3A_336 : i32 to index
          %get3A_413 = arith.constant 64 : index
          %get3A_414 = tpu.vector_load %get3A_411[%get3A_412, %get3A_413] {strides = array<i32>} : memref<128x128xf32, #tpu.memory_space<vmem>>, vector<1x16xf32>,
          %get3A_415 = vector.shape_cast %get3A_414 : vector<1x16xf32> to vector<16xf32>
          %get3A_416 = arith.constant 0 : i32
          %get3A_417 = arith.constant 0 : i32
          %get3A_418 = tpu.memref_slice %arg10[%scan3A_130, %get3A_416, %get3A_417] : memref<2x128x128xf32, #tpu.memory_space<vmem>> -> memref<1x128x128xf32, #tpu.memory_space<vmem>>
          %get3A_419 = tpu.memref_squeeze %get3A_418 : memref<1x128x128xf32, #tpu.memory_space<vmem>> -> memref<128x128xf32, #tpu.memory_space<vmem>>
          %get3A_420 = arith.index_cast %add3A_336 : i32 to index
          %get3A_421 = arith.constant 64 : index
          %get3A_422 = tpu.vector_load %get3A_419[%get3A_420, %get3A_421] {strides = array<i32>} : memref<128x128xf32, #tpu.memory_space<vmem>>, vector<1x16xf32>,
          %get3A_423 = vector.shape_cast %get3A_422 : vector<1x16xf32> to vector<16xf32>
          %mul3A_424 = arith.mulf %get3A_415, %get3A_423 : vector<16xf32>
          %add3A_425 = arith.addf %add3A_407, %mul3A_424 : vector<16xf32>
          %get3A_426 = arith.constant 0 : i32
          %get3A_427 = arith.constant 0 : i32
          %get3A_428 = tpu.memref_slice %arg9[%scan3A_129, %get3A_426, %get3A_427] : memref<2x128x128xf32, #tpu.memory_space<vmem>> -> memref<1x128x128xf32, #tpu.memory_space<vmem>>
          %get3A_429 = tpu.memref_squeeze %get3A_428 : memref<1x128x128xf32, #tpu.memory_space<vmem>> -> memref<128x128xf32, #tpu.memory_space<vmem>>
          %get3A_430 = arith.index_cast %add3A_336 : i32 to index
          %get3A_431 = arith.constant 80 : index
          %get3A_432 = tpu.vector_load %get3A_429[%get3A_430, %get3A_431] {strides = array<i32>} : memref<128x128xf32, #tpu.memory_space<vmem>>, vector<1x16xf32>,
          %get3A_433 = vector.shape_cast %get3A_432 : vector<1x16xf32> to vector<16xf32>
          %get3A_434 = arith.constant 0 : i32
          %get3A_435 = arith.constant 0 : i32
          %get3A_436 = tpu.memref_slice %arg10[%scan3A_130, %get3A_434, %get3A_435] : memref<2x128x128xf32, #tpu.memory_space<vmem>> -> memref<1x128x128xf32, #tpu.memory_space<vmem>>
          %get3A_437 = tpu.memref_squeeze %get3A_436 : memref<1x128x128xf32, #tpu.memory_space<vmem>> -> memref<128x128xf32, #tpu.memory_space<vmem>>
          %get3A_438 = arith.index_cast %add3A_336 : i32 to index
          %get3A_439 = arith.constant 80 : index
          %get3A_440 = tpu.vector_load %get3A_437[%get3A_438, %get3A_439] {strides = array<i32>} : memref<128x128xf32, #tpu.memory_space<vmem>>, vector<1x16xf32>,
          %get3A_441 = vector.shape_cast %get3A_440 : vector<1x16xf32> to vector<16xf32>
          %mul3A_442 = arith.mulf %get3A_433, %get3A_441 : vector<16xf32>
          %add3A_443 = arith.addf %add3A_425, %mul3A_442 : vector<16xf32>
          %get3A_444 = arith.constant 0 : i32
          %get3A_445 = arith.constant 0 : i32
          %get3A_446 = tpu.memref_slice %arg9[%scan3A_129, %get3A_444, %get3A_445] : memref<2x128x128xf32, #tpu.memory_space<vmem>> -> memref<1x128x128xf32, #tpu.memory_space<vmem>>
          %get3A_447 = tpu.memref_squeeze %get3A_446 : memref<1x128x128xf32, #tpu.memory_space<vmem>> -> memref<128x128xf32, #tpu.memory_space<vmem>>
          %get3A_448 = arith.index_cast %add3A_336 : i32 to index
          %get3A_449 = arith.constant 96 : index
          %get3A_450 = tpu.vector_load %get3A_447[%get3A_448, %get3A_449] {strides = array<i32>} : memref<128x128xf32, #tpu.memory_space<vmem>>, vector<1x16xf32>,
          %get3A_451 = vector.shape_cast %get3A_450 : vector<1x16xf32> to vector<16xf32>
          %get3A_452 = arith.constant 0 : i32
          %get3A_453 = arith.constant 0 : i32
          %get3A_454 = tpu.memref_slice %arg10[%scan3A_130, %get3A_452, %get3A_453] : memref<2x128x128xf32, #tpu.memory_space<vmem>> -> memref<1x128x128xf32, #tpu.memory_space<vmem>>
          %get3A_455 = tpu.memref_squeeze %get3A_454 : memref<1x128x128xf32, #tpu.memory_space<vmem>> -> memref<128x128xf32, #tpu.memory_space<vmem>>
          %get3A_456 = arith.index_cast %add3A_336 : i32 to index
          %get3A_457 = arith.constant 96 : index
          %get3A_458 = tpu.vector_load %get3A_455[%get3A_456, %get3A_457] {strides = array<i32>} : memref<128x128xf32, #tpu.memory_space<vmem>>, vector<1x16xf32>,
          %get3A_459 = vector.shape_cast %get3A_458 : vector<1x16xf32> to vector<16xf32>
          %mul3A_460 = arith.mulf %get3A_451, %get3A_459 : vector<16xf32>
          %add3A_461 = arith.addf %add3A_443, %mul3A_460 : vector<16xf32>
          %get3A_462 = arith.constant 0 : i32
          %get3A_463 = arith.constant 0 : i32
          %get3A_464 = tpu.memref_slice %arg9[%scan3A_129, %get3A_462, %get3A_463] : memref<2x128x128xf32, #tpu.memory_space<vmem>> -> memref<1x128x128xf32, #tpu.memory_space<vmem>>
          %get3A_465 = tpu.memref_squeeze %get3A_464 : memref<1x128x128xf32, #tpu.memory_space<vmem>> -> memref<128x128xf32, #tpu.memory_space<vmem>>
          %get3A_466 = arith.index_cast %add3A_336 : i32 to index
          %get3A_467 = arith.constant 112 : index
          %get3A_468 = tpu.vector_load %get3A_465[%get3A_466, %get3A_467] {strides = array<i32>} : memref<128x128xf32, #tpu.memory_space<vmem>>, vector<1x16xf32>,
          %get3A_469 = vector.shape_cast %get3A_468 : vector<1x16xf32> to vector<16xf32>
          %get3A_470 = arith.constant 0 : i32
          %get3A_471 = arith.constant 0 : i32
          %get3A_472 = tpu.memref_slice %arg10[%scan3A_130, %get3A_470, %get3A_471] : memref<2x128x128xf32, #tpu.memory_space<vmem>> -> memref<1x128x128xf32, #tpu.memory_space<vmem>>
          %get3A_473 = tpu.memref_squeeze %get3A_472 : memref<1x128x128xf32, #tpu.memory_space<vmem>> -> memref<128x128xf32, #tpu.memory_space<vmem>>
          %get3A_474 = arith.index_cast %add3A_336 : i32 to index
          %get3A_475 = arith.constant 112 : index
          %get3A_476 = tpu.vector_load %get3A_473[%get3A_474, %get3A_475] {strides = array<i32>} : memref<128x128xf32, #tpu.memory_space<vmem>>, vector<1x16xf32>,
          %get3A_477 = vector.shape_cast %get3A_476 : vector<1x16xf32> to vector<16xf32>
          %mul3A_478 = arith.mulf %get3A_469, %get3A_477 : vector<16xf32>
          %add3A_479 = arith.addf %add3A_461, %mul3A_478 : vector<16xf32>
          %xor3A_480 = arith.constant 8 : i32
          %xor3A_481 = vector.broadcast %xor3A_480 : i32 to vector<16xi32>
          %xor3A_482 = arith.xori %iota3A_127, %xor3A_481 : vector<16xi32>
          %broadcast_in_dim3A_483 = vector.shape_cast %xor3A_482 : vector<16xi32> to vector<16x1xi32>
          %gather3A_484 = vector.shape_cast %broadcast_in_dim3A_483 : vector<16x1xi32> to vector<16xi32>
          %gather3A_485 = tpu.dynamic_gather %add3A_479[%gather3A_484] in [0] : vector<16xf32>, vector<16xi32> -> vector<16xf32>
          %add3A_486 = arith.addf %add3A_479, %gather3A_485 : vector<16xf32>
          %xor3A_487 = arith.constant 4 : i32
          %xor3A_488 = vector.broadcast %xor3A_487 : i32 to vector<16xi32>
          %xor3A_489 = arith.xori %iota3A_127, %xor3A_488 : vector<16xi32>
          %broadcast_in_dim3A_490 = vector.shape_cast %xor3A_489 : vector<16xi32> to vector<16x1xi32>
          %gather3A_491 = vector.shape_cast %broadcast_in_dim3A_490 : vector<16x1xi32> to vector<16xi32>
          %gather3A_492 = tpu.dynamic_gather %add3A_486[%gather3A_491] in [0] : vector<16xf32>, vector<16xi32> -> vector<16xf32>
          %add3A_493 = arith.addf %add3A_486, %gather3A_492 : vector<16xf32>
          %xor3A_494 = arith.constant 2 : i32
          %xor3A_495 = vector.broadcast %xor3A_494 : i32 to vector<16xi32>
          %xor3A_496 = arith.xori %iota3A_127, %xor3A_495 : vector<16xi32>
          %broadcast_in_dim3A_497 = vector.shape_cast %xor3A_496 : vector<16xi32> to vector<16x1xi32>
          %gather3A_498 = vector.shape_cast %broadcast_in_dim3A_497 : vector<16x1xi32> to vector<16xi32>
          %gather3A_499 = tpu.dynamic_gather %add3A_493[%gather3A_498] in [0] : vector<16xf32>, vector<16xi32> -> vector<16xf32>
          %add3A_500 = arith.addf %add3A_493, %gather3A_499 : vector<16xf32>
          %xor3A_501 = arith.constant 1 : i32
          %xor3A_502 = vector.broadcast %xor3A_501 : i32 to vector<16xi32>
          %xor3A_503 = arith.xori %iota3A_127, %xor3A_502 : vector<16xi32>
          %broadcast_in_dim3A_504 = vector.shape_cast %xor3A_503 : vector<16xi32> to vector<16x1xi32>
          %gather3A_505 = vector.shape_cast %broadcast_in_dim3A_504 : vector<16x1xi32> to vector<16xi32>
          %gather3A_506 = tpu.dynamic_gather %add3A_500[%gather3A_505] in [0] : vector<16xf32>, vector<16xi32> -> vector<16xf32>
          %add3A_507 = arith.addf %add3A_500, %gather3A_506 : vector<16xf32>
          %and3A_508 = arith.constant 15 : i32
          %and3A_509 = arith.andi %add3A_336, %and3A_508 : i32
          %eq3A_510 = vector.broadcast %and3A_509 : i32 to vector<16xi32>
          %eq3A_511 = arith.cmpi eq, %iota3A_127, %eq3A_510 : vector<16xi32>
          %select_n3A_512 = arith.select %eq3A_511, %add3A_507, %select_n3A : vector<16xi1>, vector<16xf32>
          %scan3A_513 = arith.constant 2 : i32
          %scan3A_514 = arith.addi %scan3A_157, %scan3A_513 : i32
          %mul3A_515 = arith.constant 16 : i32
          %mul3A_516 = arith.muli %scan3A_143, %mul3A_515 : i32
          %add3A_517 = arith.addi %mul3A_516, %scan3A_514 : i32
          %get3A_518 = arith.constant 0 : i32
          %get3A_519 = arith.constant 0 : i32
          %get3A_520 = tpu.memref_slice %arg9[%scan3A_129, %get3A_518, %get3A_519] : memref<2x128x128xf32, #tpu.memory_space<vmem>> -> memref<1x128x128xf32, #tpu.memory_space<vmem>>
          %get3A_521 = tpu.memref_squeeze %get3A_520 : memref<1x128x128xf32, #tpu.memory_space<vmem>> -> memref<128x128xf32, #tpu.memory_space<vmem>>
          %get3A_522 = arith.index_cast %add3A_517 : i32 to index
          %get3A_523 = arith.constant 0 : index
          %get3A_524 = tpu.vector_load %get3A_521[%get3A_522, %get3A_523] {strides = array<i32>} : memref<128x128xf32, #tpu.memory_space<vmem>>, vector<1x16xf32>,
          %get3A_525 = vector.shape_cast %get3A_524 : vector<1x16xf32> to vector<16xf32>
          %get3A_526 = arith.constant 0 : i32
          %get3A_527 = arith.constant 0 : i32
          %get3A_528 = tpu.memref_slice %arg10[%scan3A_130, %get3A_526, %get3A_527] : memref<2x128x128xf32, #tpu.memory_space<vmem>> -> memref<1x128x128xf32, #tpu.memory_space<vmem>>
          %get3A_529 = tpu.memref_squeeze %get3A_528 : memref<1x128x128xf32, #tpu.memory_space<vmem>> -> memref<128x128xf32, #tpu.memory_space<vmem>>
          %get3A_530 = arith.index_cast %add3A_517 : i32 to index
          %get3A_531 = arith.constant 0 : index
          %get3A_532 = tpu.vector_load %get3A_529[%get3A_530, %get3A_531] {strides = array<i32>} : memref<128x128xf32, #tpu.memory_space<vmem>>, vector<1x16xf32>,
          %get3A_533 = vector.shape_cast %get3A_532 : vector<1x16xf32> to vector<16xf32>
          %mul3A_534 = arith.mulf %get3A_525, %get3A_533 : vector<16xf32>
          %get3A_535 = arith.constant 0 : i32
          %get3A_536 = arith.constant 0 : i32
          %get3A_537 = tpu.memref_slice %arg9[%scan3A_129, %get3A_535, %get3A_536] : memref<2x128x128xf32, #tpu.memory_space<vmem>> -> memref<1x128x128xf32, #tpu.memory_space<vmem>>
          %get3A_538 = tpu.memref_squeeze %get3A_537 : memref<1x128x128xf32, #tpu.memory_space<vmem>> -> memref<128x128xf32, #tpu.memory_space<vmem>>
          %get3A_539 = arith.index_cast %add3A_517 : i32 to index
          %get3A_540 = arith.constant 16 : index
          %get3A_541 = tpu.vector_load %get3A_538[%get3A_539, %get3A_540] {strides = array<i32>} : memref<128x128xf32, #tpu.memory_space<vmem>>, vector<1x16xf32>,
          %get3A_542 = vector.shape_cast %get3A_541 : vector<1x16xf32> to vector<16xf32>
          %get3A_543 = arith.constant 0 : i32
          %get3A_544 = arith.constant 0 : i32
          %get3A_545 = tpu.memref_slice %arg10[%scan3A_130, %get3A_543, %get3A_544] : memref<2x128x128xf32, #tpu.memory_space<vmem>> -> memref<1x128x128xf32, #tpu.memory_space<vmem>>
          %get3A_546 = tpu.memref_squeeze %get3A_545 : memref<1x128x128xf32, #tpu.memory_space<vmem>> -> memref<128x128xf32, #tpu.memory_space<vmem>>
          %get3A_547 = arith.index_cast %add3A_517 : i32 to index
          %get3A_548 = arith.constant 16 : index
          %get3A_549 = tpu.vector_load %get3A_546[%get3A_547, %get3A_548] {strides = array<i32>} : memref<128x128xf32, #tpu.memory_space<vmem>>, vector<1x16xf32>,
          %get3A_550 = vector.shape_cast %get3A_549 : vector<1x16xf32> to vector<16xf32>
          %mul3A_551 = arith.mulf %get3A_542, %get3A_550 : vector<16xf32>
          %add3A_552 = arith.addf %mul3A_534, %mul3A_551 : vector<16xf32>
          %get3A_553 = arith.constant 0 : i32
          %get3A_554 = arith.constant 0 : i32
          %get3A_555 = tpu.memref_slice %arg9[%scan3A_129, %get3A_553, %get3A_554] : memref<2x128x128xf32, #tpu.memory_space<vmem>> -> memref<1x128x128xf32, #tpu.memory_space<vmem>>
          %get3A_556 = tpu.memref_squeeze %get3A_555 : memref<1x128x128xf32, #tpu.memory_space<vmem>> -> memref<128x128xf32, #tpu.memory_space<vmem>>
          %get3A_557 = arith.index_cast %add3A_517 : i32 to index
          %get3A_558 = arith.constant 32 : index
          %get3A_559 = tpu.vector_load %get3A_556[%get3A_557, %get3A_558] {strides = array<i32>} : memref<128x128xf32, #tpu.memory_space<vmem>>, vector<1x16xf32>,
          %get3A_560 = vector.shape_cast %get3A_559 : vector<1x16xf32> to vector<16xf32>
          %get3A_561 = arith.constant 0 : i32
          %get3A_562 = arith.constant 0 : i32
          %get3A_563 = tpu.memref_slice %arg10[%scan3A_130, %get3A_561, %get3A_562] : memref<2x128x128xf32, #tpu.memory_space<vmem>> -> memref<1x128x128xf32, #tpu.memory_space<vmem>>
          %get3A_564 = tpu.memref_squeeze %get3A_563 : memref<1x128x128xf32, #tpu.memory_space<vmem>> -> memref<128x128xf32, #tpu.memory_space<vmem>>
          %get3A_565 = arith.index_cast %add3A_517 : i32 to index
          %get3A_566 = arith.constant 32 : index
          %get3A_567 = tpu.vector_load %get3A_564[%get3A_565, %get3A_566] {strides = array<i32>} : memref<128x128xf32, #tpu.memory_space<vmem>>, vector<1x16xf32>,
          %get3A_568 = vector.shape_cast %get3A_567 : vector<1x16xf32> to vector<16xf32>
          %mul3A_569 = arith.mulf %get3A_560, %get3A_568 : vector<16xf32>
          %add3A_570 = arith.addf %add3A_552, %mul3A_569 : vector<16xf32>
          %get3A_571 = arith.constant 0 : i32
          %get3A_572 = arith.constant 0 : i32
          %get3A_573 = tpu.memref_slice %arg9[%scan3A_129, %get3A_571, %get3A_572] : memref<2x128x128xf32, #tpu.memory_space<vmem>> -> memref<1x128x128xf32, #tpu.memory_space<vmem>>
          %get3A_574 = tpu.memref_squeeze %get3A_573 : memref<1x128x128xf32, #tpu.memory_space<vmem>> -> memref<128x128xf32, #tpu.memory_space<vmem>>
          %get3A_575 = arith.index_cast %add3A_517 : i32 to index
          %get3A_576 = arith.constant 48 : index
          %get3A_577 = tpu.vector_load %get3A_574[%get3A_575, %get3A_576] {strides = array<i32>} : memref<128x128xf32, #tpu.memory_space<vmem>>, vector<1x16xf32>,
          %get3A_578 = vector.shape_cast %get3A_577 : vector<1x16xf32> to vector<16xf32>
          %get3A_579 = arith.constant 0 : i32
          %get3A_580 = arith.constant 0 : i32
          %get3A_581 = tpu.memref_slice %arg10[%scan3A_130, %get3A_579, %get3A_580] : memref<2x128x128xf32, #tpu.memory_space<vmem>> -> memref<1x128x128xf32, #tpu.memory_space<vmem>>
          %get3A_582 = tpu.memref_squeeze %get3A_581 : memref<1x128x128xf32, #tpu.memory_space<vmem>> -> memref<128x128xf32, #tpu.memory_space<vmem>>
          %get3A_583 = arith.index_cast %add3A_517 : i32 to index
          %get3A_584 = arith.constant 48 : index
          %get3A_585 = tpu.vector_load %get3A_582[%get3A_583, %get3A_584] {strides = array<i32>} : memref<128x128xf32, #tpu.memory_space<vmem>>, vector<1x16xf32>,
          %get3A_586 = vector.shape_cast %get3A_585 : vector<1x16xf32> to vector<16xf32>
          %mul3A_587 = arith.mulf %get3A_578, %get3A_586 : vector<16xf32>
          %add3A_588 = arith.addf %add3A_570, %mul3A_587 : vector<16xf32>
          %get3A_589 = arith.constant 0 : i32
          %get3A_590 = arith.constant 0 : i32
          %get3A_591 = tpu.memref_slice %arg9[%scan3A_129, %get3A_589, %get3A_590] : memref<2x128x128xf32, #tpu.memory_space<vmem>> -> memref<1x128x128xf32, #tpu.memory_space<vmem>>
          %get3A_592 = tpu.memref_squeeze %get3A_591 : memref<1x128x128xf32, #tpu.memory_space<vmem>> -> memref<128x128xf32, #tpu.memory_space<vmem>>
          %get3A_593 = arith.index_cast %add3A_517 : i32 to index
          %get3A_594 = arith.constant 64 : index
          %get3A_595 = tpu.vector_load %get3A_592[%get3A_593, %get3A_594] {strides = array<i32>} : memref<128x128xf32, #tpu.memory_space<vmem>>, vector<1x16xf32>,
          %get3A_596 = vector.shape_cast %get3A_595 : vector<1x16xf32> to vector<16xf32>
          %get3A_597 = arith.constant 0 : i32
          %get3A_598 = arith.constant 0 : i32
          %get3A_599 = tpu.memref_slice %arg10[%scan3A_130, %get3A_597, %get3A_598] : memref<2x128x128xf32, #tpu.memory_space<vmem>> -> memref<1x128x128xf32, #tpu.memory_space<vmem>>
          %get3A_600 = tpu.memref_squeeze %get3A_599 : memref<1x128x128xf32, #tpu.memory_space<vmem>> -> memref<128x128xf32, #tpu.memory_space<vmem>>
          %get3A_601 = arith.index_cast %add3A_517 : i32 to index
          %get3A_602 = arith.constant 64 : index
          %get3A_603 = tpu.vector_load %get3A_600[%get3A_601, %get3A_602] {strides = array<i32>} : memref<128x128xf32, #tpu.memory_space<vmem>>, vector<1x16xf32>,
          %get3A_604 = vector.shape_cast %get3A_603 : vector<1x16xf32> to vector<16xf32>
          %mul3A_605 = arith.mulf %get3A_596, %get3A_604 : vector<16xf32>
          %add3A_606 = arith.addf %add3A_588, %mul3A_605 : vector<16xf32>
          %get3A_607 = arith.constant 0 : i32
          %get3A_608 = arith.constant 0 : i32
          %get3A_609 = tpu.memref_slice %arg9[%scan3A_129, %get3A_607, %get3A_608] : memref<2x128x128xf32, #tpu.memory_space<vmem>> -> memref<1x128x128xf32, #tpu.memory_space<vmem>>
          %get3A_610 = tpu.memref_squeeze %get3A_609 : memref<1x128x128xf32, #tpu.memory_space<vmem>> -> memref<128x128xf32, #tpu.memory_space<vmem>>
          %get3A_611 = arith.index_cast %add3A_517 : i32 to index
          %get3A_612 = arith.constant 80 : index
          %get3A_613 = tpu.vector_load %get3A_610[%get3A_611, %get3A_612] {strides = array<i32>} : memref<128x128xf32, #tpu.memory_space<vmem>>, vector<1x16xf32>,
          %get3A_614 = vector.shape_cast %get3A_613 : vector<1x16xf32> to vector<16xf32>
          %get3A_615 = arith.constant 0 : i32
          %get3A_616 = arith.constant 0 : i32
          %get3A_617 = tpu.memref_slice %arg10[%scan3A_130, %get3A_615, %get3A_616] : memref<2x128x128xf32, #tpu.memory_space<vmem>> -> memref<1x128x128xf32, #tpu.memory_space<vmem>>
          %get3A_618 = tpu.memref_squeeze %get3A_617 : memref<1x128x128xf32, #tpu.memory_space<vmem>> -> memref<128x128xf32, #tpu.memory_space<vmem>>
          %get3A_619 = arith.index_cast %add3A_517 : i32 to index
          %get3A_620 = arith.constant 80 : index
          %get3A_621 = tpu.vector_load %get3A_618[%get3A_619, %get3A_620] {strides = array<i32>} : memref<128x128xf32, #tpu.memory_space<vmem>>, vector<1x16xf32>,
          %get3A_622 = vector.shape_cast %get3A_621 : vector<1x16xf32> to vector<16xf32>
          %mul3A_623 = arith.mulf %get3A_614, %get3A_622 : vector<16xf32>
          %add3A_624 = arith.addf %add3A_606, %mul3A_623 : vector<16xf32>
          %get3A_625 = arith.constant 0 : i32
          %get3A_626 = arith.constant 0 : i32
          %get3A_627 = tpu.memref_slice %arg9[%scan3A_129, %get3A_625, %get3A_626] : memref<2x128x128xf32, #tpu.memory_space<vmem>> -> memref<1x128x128xf32, #tpu.memory_space<vmem>>
          %get3A_628 = tpu.memref_squeeze %get3A_627 : memref<1x128x128xf32, #tpu.memory_space<vmem>> -> memref<128x128xf32, #tpu.memory_space<vmem>>
          %get3A_629 = arith.index_cast %add3A_517 : i32 to index
          %get3A_630 = arith.constant 96 : index
          %get3A_631 = tpu.vector_load %get3A_628[%get3A_629, %get3A_630] {strides = array<i32>} : memref<128x128xf32, #tpu.memory_space<vmem>>, vector<1x16xf32>,
          %get3A_632 = vector.shape_cast %get3A_631 : vector<1x16xf32> to vector<16xf32>
          %get3A_633 = arith.constant 0 : i32
          %get3A_634 = arith.constant 0 : i32
          %get3A_635 = tpu.memref_slice %arg10[%scan3A_130, %get3A_633, %get3A_634] : memref<2x128x128xf32, #tpu.memory_space<vmem>> -> memref<1x128x128xf32, #tpu.memory_space<vmem>>
          %get3A_636 = tpu.memref_squeeze %get3A_635 : memref<1x128x128xf32, #tpu.memory_space<vmem>> -> memref<128x128xf32, #tpu.memory_space<vmem>>
          %get3A_637 = arith.index_cast %add3A_517 : i32 to index
          %get3A_638 = arith.constant 96 : index
          %get3A_639 = tpu.vector_load %get3A_636[%get3A_637, %get3A_638] {strides = array<i32>} : memref<128x128xf32, #tpu.memory_space<vmem>>, vector<1x16xf32>,
          %get3A_640 = vector.shape_cast %get3A_639 : vector<1x16xf32> to vector<16xf32>
          %mul3A_641 = arith.mulf %get3A_632, %get3A_640 : vector<16xf32>
          %add3A_642 = arith.addf %add3A_624, %mul3A_641 : vector<16xf32>
          %get3A_643 = arith.constant 0 : i32
          %get3A_644 = arith.constant 0 : i32
          %get3A_645 = tpu.memref_slice %arg9[%scan3A_129, %get3A_643, %get3A_644] : memref<2x128x128xf32, #tpu.memory_space<vmem>> -> memref<1x128x128xf32, #tpu.memory_space<vmem>>
          %get3A_646 = tpu.memref_squeeze %get3A_645 : memref<1x128x128xf32, #tpu.memory_space<vmem>> -> memref<128x128xf32, #tpu.memory_space<vmem>>
          %get3A_647 = arith.index_cast %add3A_517 : i32 to index
          %get3A_648 = arith.constant 112 : index
          %get3A_649 = tpu.vector_load %get3A_646[%get3A_647, %get3A_648] {strides = array<i32>} : memref<128x128xf32, #tpu.memory_space<vmem>>, vector<1x16xf32>,
          %get3A_650 = vector.shape_cast %get3A_649 : vector<1x16xf32> to vector<16xf32>
          %get3A_651 = arith.constant 0 : i32
          %get3A_652 = arith.constant 0 : i32
          %get3A_653 = tpu.memref_slice %arg10[%scan3A_130, %get3A_651, %get3A_652] : memref<2x128x128xf32, #tpu.memory_space<vmem>> -> memref<1x128x128xf32, #tpu.memory_space<vmem>>
          %get3A_654 = tpu.memref_squeeze %get3A_653 : memref<1x128x128xf32, #tpu.memory_space<vmem>> -> memref<128x128xf32, #tpu.memory_space<vmem>>
          %get3A_655 = arith.index_cast %add3A_517 : i32 to index
          %get3A_656 = arith.constant 112 : index
          %get3A_657 = tpu.vector_load %get3A_654[%get3A_655, %get3A_656] {strides = array<i32>} : memref<128x128xf32, #tpu.memory_space<vmem>>, vector<1x16xf32>,
          %get3A_658 = vector.shape_cast %get3A_657 : vector<1x16xf32> to vector<16xf32>
          %mul3A_659 = arith.mulf %get3A_650, %get3A_658 : vector<16xf32>
          %add3A_660 = arith.addf %add3A_642, %mul3A_659 : vector<16xf32>
          %xor3A_661 = arith.constant 8 : i32
          %xor3A_662 = vector.broadcast %xor3A_661 : i32 to vector<16xi32>
          %xor3A_663 = arith.xori %iota3A_127, %xor3A_662 : vector<16xi32>
          %broadcast_in_dim3A_664 = vector.shape_cast %xor3A_663 : vector<16xi32> to vector<16x1xi32>
          %gather3A_665 = vector.shape_cast %broadcast_in_dim3A_664 : vector<16x1xi32> to vector<16xi32>
          %gather3A_666 = tpu.dynamic_gather %add3A_660[%gather3A_665] in [0] : vector<16xf32>, vector<16xi32> -> vector<16xf32>
          %add3A_667 = arith.addf %add3A_660, %gather3A_666 : vector<16xf32>
          %xor3A_668 = arith.constant 4 : i32
          %xor3A_669 = vector.broadcast %xor3A_668 : i32 to vector<16xi32>
          %xor3A_670 = arith.xori %iota3A_127, %xor3A_669 : vector<16xi32>
          %broadcast_in_dim3A_671 = vector.shape_cast %xor3A_670 : vector<16xi32> to vector<16x1xi32>
          %gather3A_672 = vector.shape_cast %broadcast_in_dim3A_671 : vector<16x1xi32> to vector<16xi32>
          %gather3A_673 = tpu.dynamic_gather %add3A_667[%gather3A_672] in [0] : vector<16xf32>, vector<16xi32> -> vector<16xf32>
          %add3A_674 = arith.addf %add3A_667, %gather3A_673 : vector<16xf32>
          %xor3A_675 = arith.constant 2 : i32
          %xor3A_676 = vector.broadcast %xor3A_675 : i32 to vector<16xi32>
          %xor3A_677 = arith.xori %iota3A_127, %xor3A_676 : vector<16xi32>
          %broadcast_in_dim3A_678 = vector.shape_cast %xor3A_677 : vector<16xi32> to vector<16x1xi32>
          %gather3A_679 = vector.shape_cast %broadcast_in_dim3A_678 : vector<16x1xi32> to vector<16xi32>
          %gather3A_680 = tpu.dynamic_gather %add3A_674[%gather3A_679] in [0] : vector<16xf32>, vector<16xi32> -> vector<16xf32>
          %add3A_681 = arith.addf %add3A_674, %gather3A_680 : vector<16xf32>
          %xor3A_682 = arith.constant 1 : i32
          %xor3A_683 = vector.broadcast %xor3A_682 : i32 to vector<16xi32>
          %xor3A_684 = arith.xori %iota3A_127, %xor3A_683 : vector<16xi32>
          %broadcast_in_dim3A_685 = vector.shape_cast %xor3A_684 : vector<16xi32> to vector<16x1xi32>
          %gather3A_686 = vector.shape_cast %broadcast_in_dim3A_685 : vector<16x1xi32> to vector<16xi32>
          %gather3A_687 = tpu.dynamic_gather %add3A_681[%gather3A_686] in [0] : vector<16xf32>, vector<16xi32> -> vector<16xf32>
          %add3A_688 = arith.addf %add3A_681, %gather3A_687 : vector<16xf32>
          %and3A_689 = arith.constant 15 : i32
          %and3A_690 = arith.andi %add3A_517, %and3A_689 : i32
          %eq3A_691 = vector.broadcast %and3A_690 : i32 to vector<16xi32>
          %eq3A_692 = arith.cmpi eq, %iota3A_127, %eq3A_691 : vector<16xi32>
          %select_n3A_693 = arith.select %eq3A_692, %add3A_688, %select_n3A_512 : vector<16xi1>, vector<16xf32>
          %scan3A_694 = arith.constant 3 : i32
          %scan3A_695 = arith.addi %scan3A_157, %scan3A_694 : i32
          %mul3A_696 = arith.constant 16 : i32
          %mul3A_697 = arith.muli %scan3A_143, %mul3A_696 : i32
          %add3A_698 = arith.addi %mul3A_697, %scan3A_695 : i32
          %get3A_699 = arith.constant 0 : i32
          %get3A_700 = arith.constant 0 : i32
          %get3A_701 = tpu.memref_slice %arg9[%scan3A_129, %get3A_699, %get3A_700] : memref<2x128x128xf32, #tpu.memory_space<vmem>> -> memref<1x128x128xf32, #tpu.memory_space<vmem>>
          %get3A_702 = tpu.memref_squeeze %get3A_701 : memref<1x128x128xf32, #tpu.memory_space<vmem>> -> memref<128x128xf32, #tpu.memory_space<vmem>>
          %get3A_703 = arith.index_cast %add3A_698 : i32 to index
          %get3A_704 = arith.constant 0 : index
          %get3A_705 = tpu.vector_load %get3A_702[%get3A_703, %get3A_704] {strides = array<i32>} : memref<128x128xf32, #tpu.memory_space<vmem>>, vector<1x16xf32>,
          %get3A_706 = vector.shape_cast %get3A_705 : vector<1x16xf32> to vector<16xf32>
          %get3A_707 = arith.constant 0 : i32
          %get3A_708 = arith.constant 0 : i32
          %get3A_709 = tpu.memref_slice %arg10[%scan3A_130, %get3A_707, %get3A_708] : memref<2x128x128xf32, #tpu.memory_space<vmem>> -> memref<1x128x128xf32, #tpu.memory_space<vmem>>
          %get3A_710 = tpu.memref_squeeze %get3A_709 : memref<1x128x128xf32, #tpu.memory_space<vmem>> -> memref<128x128xf32, #tpu.memory_space<vmem>>
          %get3A_711 = arith.index_cast %add3A_698 : i32 to index
          %get3A_712 = arith.constant 0 : index
          %get3A_713 = tpu.vector_load %get3A_710[%get3A_711, %get3A_712] {strides = array<i32>} : memref<128x128xf32, #tpu.memory_space<vmem>>, vector<1x16xf32>,
          %get3A_714 = vector.shape_cast %get3A_713 : vector<1x16xf32> to vector<16xf32>
          %mul3A_715 = arith.mulf %get3A_706, %get3A_714 : vector<16xf32>
          %get3A_716 = arith.constant 0 : i32
          %get3A_717 = arith.constant 0 : i32
          %get3A_718 = tpu.memref_slice %arg9[%scan3A_129, %get3A_716, %get3A_717] : memref<2x128x128xf32, #tpu.memory_space<vmem>> -> memref<1x128x128xf32, #tpu.memory_space<vmem>>
          %get3A_719 = tpu.memref_squeeze %get3A_718 : memref<1x128x128xf32, #tpu.memory_space<vmem>> -> memref<128x128xf32, #tpu.memory_space<vmem>>
          %get3A_720 = arith.index_cast %add3A_698 : i32 to index
          %get3A_721 = arith.constant 16 : index
          %get3A_722 = tpu.vector_load %get3A_719[%get3A_720, %get3A_721] {strides = array<i32>} : memref<128x128xf32, #tpu.memory_space<vmem>>, vector<1x16xf32>,
          %get3A_723 = vector.shape_cast %get3A_722 : vector<1x16xf32> to vector<16xf32>
          %get3A_724 = arith.constant 0 : i32
          %get3A_725 = arith.constant 0 : i32
          %get3A_726 = tpu.memref_slice %arg10[%scan3A_130, %get3A_724, %get3A_725] : memref<2x128x128xf32, #tpu.memory_space<vmem>> -> memref<1x128x128xf32, #tpu.memory_space<vmem>>
          %get3A_727 = tpu.memref_squeeze %get3A_726 : memref<1x128x128xf32, #tpu.memory_space<vmem>> -> memref<128x128xf32, #tpu.memory_space<vmem>>
          %get3A_728 = arith.index_cast %add3A_698 : i32 to index
          %get3A_729 = arith.constant 16 : index
          %get3A_730 = tpu.vector_load %get3A_727[%get3A_728, %get3A_729] {strides = array<i32>} : memref<128x128xf32, #tpu.memory_space<vmem>>, vector<1x16xf32>,
          %get3A_731 = vector.shape_cast %get3A_730 : vector<1x16xf32> to vector<16xf32>
          %mul3A_732 = arith.mulf %get3A_723, %get3A_731 : vector<16xf32>
          %add3A_733 = arith.addf %mul3A_715, %mul3A_732 : vector<16xf32>
          %get3A_734 = arith.constant 0 : i32
          %get3A_735 = arith.constant 0 : i32
          %get3A_736 = tpu.memref_slice %arg9[%scan3A_129, %get3A_734, %get3A_735] : memref<2x128x128xf32, #tpu.memory_space<vmem>> -> memref<1x128x128xf32, #tpu.memory_space<vmem>>
          %get3A_737 = tpu.memref_squeeze %get3A_736 : memref<1x128x128xf32, #tpu.memory_space<vmem>> -> memref<128x128xf32, #tpu.memory_space<vmem>>
          %get3A_738 = arith.index_cast %add3A_698 : i32 to index
          %get3A_739 = arith.constant 32 : index
          %get3A_740 = tpu.vector_load %get3A_737[%get3A_738, %get3A_739] {strides = array<i32>} : memref<128x128xf32, #tpu.memory_space<vmem>>, vector<1x16xf32>,
          %get3A_741 = vector.shape_cast %get3A_740 : vector<1x16xf32> to vector<16xf32>
          %get3A_742 = arith.constant 0 : i32
          %get3A_743 = arith.constant 0 : i32
          %get3A_744 = tpu.memref_slice %arg10[%scan3A_130, %get3A_742, %get3A_743] : memref<2x128x128xf32, #tpu.memory_space<vmem>> -> memref<1x128x128xf32, #tpu.memory_space<vmem>>
          %get3A_745 = tpu.memref_squeeze %get3A_744 : memref<1x128x128xf32, #tpu.memory_space<vmem>> -> memref<128x128xf32, #tpu.memory_space<vmem>>
          %get3A_746 = arith.index_cast %add3A_698 : i32 to index
          %get3A_747 = arith.constant 32 : index
          %get3A_748 = tpu.vector_load %get3A_745[%get3A_746, %get3A_747] {strides = array<i32>} : memref<128x128xf32, #tpu.memory_space<vmem>>, vector<1x16xf32>,
          %get3A_749 = vector.shape_cast %get3A_748 : vector<1x16xf32> to vector<16xf32>
          %mul3A_750 = arith.mulf %get3A_741, %get3A_749 : vector<16xf32>
          %add3A_751 = arith.addf %add3A_733, %mul3A_750 : vector<16xf32>
          %get3A_752 = arith.constant 0 : i32
          %get3A_753 = arith.constant 0 : i32
          %get3A_754 = tpu.memref_slice %arg9[%scan3A_129, %get3A_752, %get3A_753] : memref<2x128x128xf32, #tpu.memory_space<vmem>> -> memref<1x128x128xf32, #tpu.memory_space<vmem>>
          %get3A_755 = tpu.memref_squeeze %get3A_754 : memref<1x128x128xf32, #tpu.memory_space<vmem>> -> memref<128x128xf32, #tpu.memory_space<vmem>>
          %get3A_756 = arith.index_cast %add3A_698 : i32 to index
          %get3A_757 = arith.constant 48 : index
          %get3A_758 = tpu.vector_load %get3A_755[%get3A_756, %get3A_757] {strides = array<i32>} : memref<128x128xf32, #tpu.memory_space<vmem>>, vector<1x16xf32>,
          %get3A_759 = vector.shape_cast %get3A_758 : vector<1x16xf32> to vector<16xf32>
          %get3A_760 = arith.constant 0 : i32
          %get3A_761 = arith.constant 0 : i32
          %get3A_762 = tpu.memref_slice %arg10[%scan3A_130, %get3A_760, %get3A_761] : memref<2x128x128xf32, #tpu.memory_space<vmem>> -> memref<1x128x128xf32, #tpu.memory_space<vmem>>
          %get3A_763 = tpu.memref_squeeze %get3A_762 : memref<1x128x128xf32, #tpu.memory_space<vmem>> -> memref<128x128xf32, #tpu.memory_space<vmem>>
          %get3A_764 = arith.index_cast %add3A_698 : i32 to index
          %get3A_765 = arith.constant 48 : index
          %get3A_766 = tpu.vector_load %get3A_763[%get3A_764, %get3A_765] {strides = array<i32>} : memref<128x128xf32, #tpu.memory_space<vmem>>, vector<1x16xf32>,
          %get3A_767 = vector.shape_cast %get3A_766 : vector<1x16xf32> to vector<16xf32>
          %mul3A_768 = arith.mulf %get3A_759, %get3A_767 : vector<16xf32>
          %add3A_769 = arith.addf %add3A_751, %mul3A_768 : vector<16xf32>
          %get3A_770 = arith.constant 0 : i32
          %get3A_771 = arith.constant 0 : i32
          %get3A_772 = tpu.memref_slice %arg9[%scan3A_129, %get3A_770, %get3A_771] : memref<2x128x128xf32, #tpu.memory_space<vmem>> -> memref<1x128x128xf32, #tpu.memory_space<vmem>>
          %get3A_773 = tpu.memref_squeeze %get3A_772 : memref<1x128x128xf32, #tpu.memory_space<vmem>> -> memref<128x128xf32, #tpu.memory_space<vmem>>
          %get3A_774 = arith.index_cast %add3A_698 : i32 to index
          %get3A_775 = arith.constant 64 : index
          %get3A_776 = tpu.vector_load %get3A_773[%get3A_774, %get3A_775] {strides = array<i32>} : memref<128x128xf32, #tpu.memory_space<vmem>>, vector<1x16xf32>,
          %get3A_777 = vector.shape_cast %get3A_776 : vector<1x16xf32> to vector<16xf32>
          %get3A_778 = arith.constant 0 : i32
          %get3A_779 = arith.constant 0 : i32
          %get3A_780 = tpu.memref_slice %arg10[%scan3A_130, %get3A_778, %get3A_779] : memref<2x128x128xf32, #tpu.memory_space<vmem>> -> memref<1x128x128xf32, #tpu.memory_space<vmem>>
          %get3A_781 = tpu.memref_squeeze %get3A_780 : memref<1x128x128xf32, #tpu.memory_space<vmem>> -> memref<128x128xf32, #tpu.memory_space<vmem>>
          %get3A_782 = arith.index_cast %add3A_698 : i32 to index
          %get3A_783 = arith.constant 64 : index
          %get3A_784 = tpu.vector_load %get3A_781[%get3A_782, %get3A_783] {strides = array<i32>} : memref<128x128xf32, #tpu.memory_space<vmem>>, vector<1x16xf32>,
          %get3A_785 = vector.shape_cast %get3A_784 : vector<1x16xf32> to vector<16xf32>
          %mul3A_786 = arith.mulf %get3A_777, %get3A_785 : vector<16xf32>
          %add3A_787 = arith.addf %add3A_769, %mul3A_786 : vector<16xf32>
          %get3A_788 = arith.constant 0 : i32
          %get3A_789 = arith.constant 0 : i32
          %get3A_790 = tpu.memref_slice %arg9[%scan3A_129, %get3A_788, %get3A_789] : memref<2x128x128xf32, #tpu.memory_space<vmem>> -> memref<1x128x128xf32, #tpu.memory_space<vmem>>
          %get3A_791 = tpu.memref_squeeze %get3A_790 : memref<1x128x128xf32, #tpu.memory_space<vmem>> -> memref<128x128xf32, #tpu.memory_space<vmem>>
          %get3A_792 = arith.index_cast %add3A_698 : i32 to index
          %get3A_793 = arith.constant 80 : index
          %get3A_794 = tpu.vector_load %get3A_791[%get3A_792, %get3A_793] {strides = array<i32>} : memref<128x128xf32, #tpu.memory_space<vmem>>, vector<1x16xf32>,
          %get3A_795 = vector.shape_cast %get3A_794 : vector<1x16xf32> to vector<16xf32>
          %get3A_796 = arith.constant 0 : i32
          %get3A_797 = arith.constant 0 : i32
          %get3A_798 = tpu.memref_slice %arg10[%scan3A_130, %get3A_796, %get3A_797] : memref<2x128x128xf32, #tpu.memory_space<vmem>> -> memref<1x128x128xf32, #tpu.memory_space<vmem>>
          %get3A_799 = tpu.memref_squeeze %get3A_798 : memref<1x128x128xf32, #tpu.memory_space<vmem>> -> memref<128x128xf32, #tpu.memory_space<vmem>>
          %get3A_800 = arith.index_cast %add3A_698 : i32 to index
          %get3A_801 = arith.constant 80 : index
          %get3A_802 = tpu.vector_load %get3A_799[%get3A_800, %get3A_801] {strides = array<i32>} : memref<128x128xf32, #tpu.memory_space<vmem>>, vector<1x16xf32>,
          %get3A_803 = vector.shape_cast %get3A_802 : vector<1x16xf32> to vector<16xf32>
          %mul3A_804 = arith.mulf %get3A_795, %get3A_803 : vector<16xf32>
          %add3A_805 = arith.addf %add3A_787, %mul3A_804 : vector<16xf32>
          %get3A_806 = arith.constant 0 : i32
          %get3A_807 = arith.constant 0 : i32
          %get3A_808 = tpu.memref_slice %arg9[%scan3A_129, %get3A_806, %get3A_807] : memref<2x128x128xf32, #tpu.memory_space<vmem>> -> memref<1x128x128xf32, #tpu.memory_space<vmem>>
          %get3A_809 = tpu.memref_squeeze %get3A_808 : memref<1x128x128xf32, #tpu.memory_space<vmem>> -> memref<128x128xf32, #tpu.memory_space<vmem>>
          %get3A_810 = arith.index_cast %add3A_698 : i32 to index
          %get3A_811 = arith.constant 96 : index
          %get3A_812 = tpu.vector_load %get3A_809[%get3A_810, %get3A_811] {strides = array<i32>} : memref<128x128xf32, #tpu.memory_space<vmem>>, vector<1x16xf32>,
          %get3A_813 = vector.shape_cast %get3A_812 : vector<1x16xf32> to vector<16xf32>
          %get3A_814 = arith.constant 0 : i32
          %get3A_815 = arith.constant 0 : i32
          %get3A_816 = tpu.memref_slice %arg10[%scan3A_130, %get3A_814, %get3A_815] : memref<2x128x128xf32, #tpu.memory_space<vmem>> -> memref<1x128x128xf32, #tpu.memory_space<vmem>>
          %get3A_817 = tpu.memref_squeeze %get3A_816 : memref<1x128x128xf32, #tpu.memory_space<vmem>> -> memref<128x128xf32, #tpu.memory_space<vmem>>
          %get3A_818 = arith.index_cast %add3A_698 : i32 to index
          %get3A_819 = arith.constant 96 : index
          %get3A_820 = tpu.vector_load %get3A_817[%get3A_818, %get3A_819] {strides = array<i32>} : memref<128x128xf32, #tpu.memory_space<vmem>>, vector<1x16xf32>,
          %get3A_821 = vector.shape_cast %get3A_820 : vector<1x16xf32> to vector<16xf32>
          %mul3A_822 = arith.mulf %get3A_813, %get3A_821 : vector<16xf32>
          %add3A_823 = arith.addf %add3A_805, %mul3A_822 : vector<16xf32>
          %get3A_824 = arith.constant 0 : i32
          %get3A_825 = arith.constant 0 : i32
          %get3A_826 = tpu.memref_slice %arg9[%scan3A_129, %get3A_824, %get3A_825] : memref<2x128x128xf32, #tpu.memory_space<vmem>> -> memref<1x128x128xf32, #tpu.memory_space<vmem>>
          %get3A_827 = tpu.memref_squeeze %get3A_826 : memref<1x128x128xf32, #tpu.memory_space<vmem>> -> memref<128x128xf32, #tpu.memory_space<vmem>>
          %get3A_828 = arith.index_cast %add3A_698 : i32 to index
          %get3A_829 = arith.constant 112 : index
          %get3A_830 = tpu.vector_load %get3A_827[%get3A_828, %get3A_829] {strides = array<i32>} : memref<128x128xf32, #tpu.memory_space<vmem>>, vector<1x16xf32>,
          %get3A_831 = vector.shape_cast %get3A_830 : vector<1x16xf32> to vector<16xf32>
          %get3A_832 = arith.constant 0 : i32
          %get3A_833 = arith.constant 0 : i32
          %get3A_834 = tpu.memref_slice %arg10[%scan3A_130, %get3A_832, %get3A_833] : memref<2x128x128xf32, #tpu.memory_space<vmem>> -> memref<1x128x128xf32, #tpu.memory_space<vmem>>
          %get3A_835 = tpu.memref_squeeze %get3A_834 : memref<1x128x128xf32, #tpu.memory_space<vmem>> -> memref<128x128xf32, #tpu.memory_space<vmem>>
          %get3A_836 = arith.index_cast %add3A_698 : i32 to index
          %get3A_837 = arith.constant 112 : index
          %get3A_838 = tpu.vector_load %get3A_835[%get3A_836, %get3A_837] {strides = array<i32>} : memref<128x128xf32, #tpu.memory_space<vmem>>, vector<1x16xf32>,
          %get3A_839 = vector.shape_cast %get3A_838 : vector<1x16xf32> to vector<16xf32>
          %mul3A_840 = arith.mulf %get3A_831, %get3A_839 : vector<16xf32>
          %add3A_841 = arith.addf %add3A_823, %mul3A_840 : vector<16xf32>
          %xor3A_842 = arith.constant 8 : i32
          %xor3A_843 = vector.broadcast %xor3A_842 : i32 to vector<16xi32>
          %xor3A_844 = arith.xori %iota3A_127, %xor3A_843 : vector<16xi32>
          %broadcast_in_dim3A_845 = vector.shape_cast %xor3A_844 : vector<16xi32> to vector<16x1xi32>
          %gather3A_846 = vector.shape_cast %broadcast_in_dim3A_845 : vector<16x1xi32> to vector<16xi32>
          %gather3A_847 = tpu.dynamic_gather %add3A_841[%gather3A_846] in [0] : vector<16xf32>, vector<16xi32> -> vector<16xf32>
          %add3A_848 = arith.addf %add3A_841, %gather3A_847 : vector<16xf32>
          %xor3A_849 = arith.constant 4 : i32
          %xor3A_850 = vector.broadcast %xor3A_849 : i32 to vector<16xi32>
          %xor3A_851 = arith.xori %iota3A_127, %xor3A_850 : vector<16xi32>
          %broadcast_in_dim3A_852 = vector.shape_cast %xor3A_851 : vector<16xi32> to vector<16x1xi32>
          %gather3A_853 = vector.shape_cast %broadcast_in_dim3A_852 : vector<16x1xi32> to vector<16xi32>
          %gather3A_854 = tpu.dynamic_gather %add3A_848[%gather3A_853] in [0] : vector<16xf32>, vector<16xi32> -> vector<16xf32>
          %add3A_855 = arith.addf %add3A_848, %gather3A_854 : vector<16xf32>
          %xor3A_856 = arith.constant 2 : i32
          %xor3A_857 = vector.broadcast %xor3A_856 : i32 to vector<16xi32>
          %xor3A_858 = arith.xori %iota3A_127, %xor3A_857 : vector<16xi32>
          %broadcast_in_dim3A_859 = vector.shape_cast %xor3A_858 : vector<16xi32> to vector<16x1xi32>
          %gather3A_860 = vector.shape_cast %broadcast_in_dim3A_859 : vector<16x1xi32> to vector<16xi32>
          %gather3A_861 = tpu.dynamic_gather %add3A_855[%gather3A_860] in [0] : vector<16xf32>, vector<16xi32> -> vector<16xf32>
          %add3A_862 = arith.addf %add3A_855, %gather3A_861 : vector<16xf32>
          %xor3A_863 = arith.constant 1 : i32
          %xor3A_864 = vector.broadcast %xor3A_863 : i32 to vector<16xi32>
          %xor3A_865 = arith.xori %iota3A_127, %xor3A_864 : vector<16xi32>
          %broadcast_in_dim3A_866 = vector.shape_cast %xor3A_865 : vector<16xi32> to vector<16x1xi32>
          %gather3A_867 = vector.shape_cast %broadcast_in_dim3A_866 : vector<16x1xi32> to vector<16xi32>
          %gather3A_868 = tpu.dynamic_gather %add3A_862[%gather3A_867] in [0] : vector<16xf32>, vector<16xi32> -> vector<16xf32>
          %add3A_869 = arith.addf %add3A_862, %gather3A_868 : vector<16xf32>
          %and3A_870 = arith.constant 15 : i32
          %and3A_871 = arith.andi %add3A_698, %and3A_870 : i32
          %eq3A_872 = vector.broadcast %and3A_871 : i32 to vector<16xi32>
          %eq3A_873 = arith.cmpi eq, %iota3A_127, %eq3A_872 : vector<16xi32>
          %select_n3A_874 = arith.select %eq3A_873, %add3A_869, %select_n3A_693 : vector<16xi1>, vector<16xf32>
          scf.yield %select_n3A_874 : vector<16xf32>
        }
        %scan3A_150 = arith.constant 16 : i32
        %mul3A_151 = arith.constant 16 : i32
        %mul3A_152 = arith.muli %scan3A_143, %mul3A_151 : i32
        %add3A_153 = arith.addi %mul3A_126, %mul3A_152 : i32
        %swap3A = arith.index_cast %add3A_153 : i32 to index
        %swap3A_154 = tpu.vector_load %arg11[%swap3A] {strides = array<i32>} : memref<512xf32, #tpu.memory_space<vmem>>, vector<16xf32>,
        %swap3A_155 = vector.shape_cast %swap3A_154 : vector<16xf32> to vector<16xf32>
        %swap3A_156 = vector.shape_cast %scan3A_149 : vector<16xf32> to vector<16xf32>
        tpu.vector_store %arg11[%swap3A], %swap3A_156 {strides = array<i32>} : memref<512xf32, #tpu.memory_space<vmem>>, vector<16xf32>,
      }
      %scan3A_135 = arith.constant 8 : i32
      %add3A_136 = arith.constant 3 : i32
      %add3A_137 = arith.addi %mul3A_49, %add3A_136 : i32
      %lt3A_138 = arith.constant 4 : i32
      %lt3A_139 = arith.cmpi slt, %add3A_137, %lt3A_138 : i32
      %convert_element_type3A_140 = arith.extui %lt3A_139 : i1 to i32
      %cond3A_141 = arith.constant 0 : i32
      %cond3A_142 = arith.cmpi ne, %convert_element_type3A_140, %cond3A_141 : i32
      scf.if %cond3A_142 {
        %add3A_143 = arith.constant 3 : i32
        %add3A_144 = arith.addi %mul3A_49, %add3A_143 : i32
        %mul3A_145 = arith.constant 128 : i32
        %mul3A_146 = arith.muli %add3A_144, %mul3A_145 : i32
        %dma_start3A_147 = arith.constant 1 : i32
        %dma_start3A_148 = arith.constant 0 : i32
        %dma_start3A_149 = arith.constant 0 : i32
        %dma_start3A_150 = tpu.memref_slice %arg9[%dma_start3A_147, %dma_start3A_148, %dma_start3A_149] : memref<2x128x128xf32, #tpu.memory_space<vmem>> -> memref<1x128x128xf32, #tpu.memory_space<vmem>>
        %dma_start3A_151 = tpu.memref_squeeze %dma_start3A_150 : memref<1x128x128xf32, #tpu.memory_space<vmem>> -> memref<128x128xf32, #tpu.memory_space<vmem>>
        %dma_start3A_152 = tpu.memref_slice %arg7[%mul3A_146] : memref<512xi32, #tpu.memory_space<vmem>> -> memref<128xi32, #tpu.memory_space<vmem>>
        %dma_start3A_153 = arith.constant 0 : i32
        %dma_start3A_154 = arith.constant 0 : i32
        %dma_start3A_155 = tpu.memref_slice %arg4[%dma_start3A_153, %dma_start3A_154] : memref<100000x128xf32, #tpu.memory_space<hbm>> -> memref<100000x128xf32, #tpu.memory_space<hbm>>
        tpu.enqueue_indirect_dma source(%dma_start3A_155 : memref<100000x128xf32, #tpu.memory_space<hbm>>) target(%dma_start3A_151 : memref<128x128xf32, #tpu.memory_space<vmem>>) offsets(%dma_start3A_152 : memref<128xi32, #tpu.memory_space<vmem>>) semaphore(%arg14 : memref<!tpu.dma_semaphore, #tpu.memory_space<semaphore_mem>>)
        %mul3A_156 = arith.constant 128 : i32
        %mul3A_157 = arith.muli %add3A_144, %mul3A_156 : i32
        %dma_start3A_158 = arith.constant 1 : i32
        %dma_start3A_159 = arith.constant 0 : i32
        %dma_start3A_160 = arith.constant 0 : i32
        %dma_start3A_161 = tpu.memref_slice %arg10[%dma_start3A_158, %dma_start3A_159, %dma_start3A_160] : memref<2x128x128xf32, #tpu.memory_space<vmem>> -> memref<1x128x128xf32, #tpu.memory_space<vmem>>
        %dma_start3A_162 = tpu.memref_squeeze %dma_start3A_161 : memref<1x128x128xf32, #tpu.memory_space<vmem>> -> memref<128x128xf32, #tpu.memory_space<vmem>>
        %dma_start3A_163 = tpu.memref_slice %arg8[%mul3A_157] : memref<512xi32, #tpu.memory_space<vmem>> -> memref<128xi32, #tpu.memory_space<vmem>>
        %dma_start3A_164 = arith.constant 0 : i32
        %dma_start3A_165 = arith.constant 0 : i32
        %dma_start3A_166 = tpu.memref_slice %arg5[%dma_start3A_164, %dma_start3A_165] : memref<100000x128xf32, #tpu.memory_space<hbm>> -> memref<100000x128xf32, #tpu.memory_space<hbm>>
        tpu.enqueue_indirect_dma source(%dma_start3A_166 : memref<100000x128xf32, #tpu.memory_space<hbm>>) target(%dma_start3A_162 : memref<128x128xf32, #tpu.memory_space<vmem>>) offsets(%dma_start3A_163 : memref<128xi32, #tpu.memory_space<vmem>>) semaphore(%arg15 : memref<!tpu.dma_semaphore, #tpu.memory_space<semaphore_mem>>)
      } else {
      }
    }
    %scan3A_46 = arith.constant 2 : i32
    "tpu.region"() ({
      %run_scoped3A = tpu.sem_alloc : memref<!tpu.dma_semaphore, #tpu.memory_space<semaphore_mem>>
      %dma_start3A_47 = tpu.memref_slice %arg6[%mul3A_2] : memref<16384xf32, #tpu.memory_space<hbm>> -> memref<512xf32, #tpu.memory_space<hbm>>
      %dma_start3A_48 = tpu.memref_slice %arg6[%mul3A_2] : memref<16384xf32, #tpu.memory_space<hbm>> -> memref<512xf32, #tpu.memory_space<hbm>>
      tpu.enqueue_dma source(%arg11 : memref<512xf32, #tpu.memory_space<vmem>>) target(%dma_start3A_48 : memref<512xf32, #tpu.memory_space<hbm>>) target_semaphore(%run_scoped3A : memref<!tpu.dma_semaphore, #tpu.memory_space<semaphore_mem>>)
      %dma_wait3A = tpu.memref_slice %arg6[%mul3A_2] : memref<16384xf32, #tpu.memory_space<hbm>> -> memref<512xf32, #tpu.memory_space<hbm>>
      %dma_wait3A_49 = tpu.memref_slice %arg6[%mul3A_2] : memref<16384xf32, #tpu.memory_space<hbm>> -> memref<512xf32, #tpu.memory_space<hbm>>
      tpu.wait_dma2 semaphore(%run_scoped3A : memref<!tpu.dma_semaphore, #tpu.memory_space<semaphore_mem>>) src(%arg11 : memref<512xf32, #tpu.memory_space<vmem>>) dst(%dma_wait3A_49 : memref<512xf32, #tpu.memory_space<hbm>>)
      tpu.yield
    }) : () -> ()
    return
  }
}

</mosaic_0001>

<sc_bundles>
// kernel: kernel.3.cloned.1.call-start
scs
__scs_entry_jumppad:
0x0: {  	(pc) =	sbr.rel $0x88, $3  }
0x1: {  	(tag) =	ssettag $0x0;
	lr =	simm.s32 $0x1  }
0x2: {  	[smem:$0x3F9D] =	sst lr;
	_ =	strace $0xD0000000  }
0x3: {  	_ = 	snop  }
0x4: {  	_ = 	snop  }
0x5: {  	_ = 	snop  }
0x6: {  	_ = 	snop  }
0x7: {  	_ = 	snop  }
__scs_overlays_trampoline_lowered:
0x8: {  	[smem:$0x3FAC] =	sst s0  }
0x9: {  	[smem:$0x3FAD] =	sst s1  }
0xa: {  	[smem:$0x3FAE] =	sst s2  }
0xb: {  	[smem:$0x3FAF] =	sst s3  }
0xc: {  	[smem:$0x3FB0] =	sst s4  }
0xd: {  	[smem:$0x3FB1] =	sst s5  }
0xe: {  	[smem:$0x3FB2] =	sst s6  }
0xf: {  	[smem:$0x3FB3] =	sst s7  }
0x10: {  	[smem:$0x3FB4] =	sst s8  }
0x11: {  	[smem:$0x3FB5] =	sst s9;
	s0 =	simm.s32 @!p0 $0x0  }
0x12: {  	s1 =	sld [smem:$0x3F9B];
	s0 =	simm.s32 @p0 $0x1  }
0x13: {  	[smem:$0x3FB6] =	sst s0;
	s0 =	simm.s32 @!p1 $0x0  }
0x14: {  	s2 =	sld [smem:$0x3F9A];
	s0 =	simm.s32 @p1 $0x1  }
0x15: {  	[smem:$0x3FB7] =	sst s0;
	s0 =	simm.s32 @!p2 $0x0  }
0x16: {  	s3 =	sld [smem:$0x3FDB];
	s0 =	simm.s32 @p2 $0x1  }
0x17: {  	s4 =	simm.s32 $0x1BF5;
	[smem:$0x3FB9] =	sst s0  }
0x18: {  	s0 =	sld [smem:$0x3F9C];
	_ =	swait.ge [sflag:s4], $0x0  }
0x19: {  	s7 =	sld [smem:$0x3F9D]  }
0x1a: {  	s8 =	sadd.s32 $0xFFFFE003, lr  }
0x1b: {  	s9 =	sadd.s32 $0xFFFFFEF7, lr;
	s5 =	simm.s32 $0xFFFFFFFF;
	p2 =	slt.u32 s8, $0xFFFFF086  }
0x1c: {  	p1 =	slt.u32 s9, $0xF7A;
	s5 =	simm.s32 @!p2 $0x0  }
0x1d: {  	s5 =	simm.s32 @p1 $0x1;
	p0 =	seq.s32 s7, s2  }
0x1e: {  	s7 =	smul.u32 @!p0 $0xF7A, s2;
	p2 =	seq.s32 @!p0 s5, $0x0  }
0x1f: {  	s9 =	smul.u32 $0xF7A, s1;
	s8 =	simm.s32 @!p0 $0x1BF5;
	p2 =	por !p2, p0  }
0x20: {  	[sflag:s8] =	ssyncset.s32 @!p0 $0xFFFFF086;
	s6 =	sadd.s32 @!p0 s3, s7;
	s7 =	simm.s32 @!p0 $0x108  }
0x21: {  	s3 =	sadd.s32 s3, s9;
	s6 =	sadd.s32 @!p0 $0x88, s6;
	s7 =	simm.s32 @p2 $0x1082  }
0x22: {  	[simem:s7], [sflag:s8] =	dma.local @!p0 [hbm:s6], $0xF7A  }
0x23: {  	s9 =	sor.u32 $0xD0000000, s2;
	s6 =	simm.s32 $0x108;
	_ =	swait.ge @!p0 [sflag:s8], $0x0  }
0x24: {  	s3 =	sadd.s32 $0x88, s3;
	s6 =	simm.s32 @!p1 $0x1082;
	[sflag:s4] =	ssyncset.s32 $0xFFFFF086  }
0x25: {  	[simem:s6], [sflag:s4] =	dma.local [hbm:s3], $0xF7A  }
0x26: {  	[smem:$0x3F9D] =	sst s1;
	(tag) =	ssettag s2;
	_ =	strace s9  }
0x27: {  	s1 =	sld [smem:$0x3FAD]  }
0x28: {  	s2 =	sld [smem:$0x3FAE]  }
0x29: {  	s4 =	sld [smem:$0x3FB0]  }
0x2a: {  	p0 =	seq.s32 s5, $0x0;
	s5 =	sld [smem:$0x3FB1]  }
0x2b: {  	s6 =	sld [smem:$0x3FB2]  }
0x2c: {  	s7 =	sld [smem:$0x3FB3]  }
0x2d: {  	s3 =	simm.s32 $0x108;
	s8 =	sld [smem:$0x3FB4]  }
0x2e: {  	s3 =	simm.s32 @!p0 $0x1082;
	s9 =	sld [smem:$0x3FB5]  }
0x2f: {  	lr =	sadd.s32 s0, s3;
	s0 =	sld [smem:$0x3FAC]  }
0x30: {  	s3 =	sld [smem:$0x3FAF]  }
0x31: {  	[smem:$0x3FB8] =	sst s10  }
0x32: {  	s10 =	sld [smem:$0x3FB6];
	_ =	sdelay $0x3  }
0x33: {  	p0 =	seq.s32 s10, $0x1;
	s10 =	sld [smem:$0x3FB8];
	_ =	sdelay $0x3  }
0x34: {  	[smem:$0x3FB8] =	sst s10  }
0x35: {  	s10 =	sld [smem:$0x3FB7];
	_ =	sdelay $0x3  }
0x36: {  	p1 =	seq.s32 s10, $0x1;
	s10 =	sld [smem:$0x3FB8];
	_ =	sdelay $0x3  }
0x37: {  	[smem:$0x3FB8] =	sst s10  }
0x38: {  	s10 =	sld [smem:$0x3FB9]  }
0x39: {  	_ = 	snop;
	(pc) =	sbr.ind lr, $3  }
0x3a: {  	_ = 	snop  }
0x3b: {  	_ = 	snop  }
0x3c: {  	p2 =	seq.s32 s10, $0x1;
	s10 =	sld [smem:$0x3FB8]  }
0x3d: {  	_ =	shalt  }
0x3e: {  	_ =	shalt  }
0x3f: {  	_ =	shalt  }
0x40: {  	_ =	shalt  }
0x41: {  	_ =	shalt  }
0x42: {  	_ =	shalt  }
0x43: {  	_ =	shalt  }
0x44: {  	_ =	shalt  }
0x45: {  	_ =	shalt  }
0x46: {  	_ =	shalt  }
0x47: {  	_ =	shalt  }
0x48: {  	_ =	shalt  }
0x49: {  	_ =	shalt  }
0x4a: {  	_ =	shalt  }
0x4b: {  	_ =	shalt  }
0x4c: {  	_ =	shalt  }
0x4d: {  	_ =	shalt  }
0x4e: {  	_ =	shalt  }
0x4f: {  	_ =	shalt  }
0x50: {  	_ =	shalt  }
0x51: {  	_ =	shalt  }
0x52: {  	_ =	shalt  }
0x53: {  	_ =	shalt  }
0x54: {  	_ =	shalt  }
0x55: {  	_ =	shalt  }
0x56: {  	_ =	shalt  }
0x57: {  	_ =	shalt  }
0x58: {  	_ =	shalt  }
0x59: {  	_ =	shalt  }
0x5a: {  	_ =	shalt  }
0x5b: {  	_ =	shalt  }
0x5c: {  	_ =	shalt  }
0x5d: {  	_ =	shalt  }
0x5e: {  	_ =	shalt  }
0x5f: {  	_ =	shalt  }
0x60: {  	_ =	shalt  }
0x61: {  	_ =	shalt  }
0x62: {  	_ =	shalt  }
0x63: {  	_ =	shalt  }
0x64: {  	_ =	shalt  }
0x65: {  	_ =	shalt  }
0x66: {  	_ =	shalt  }
0x67: {  	_ =	shalt  }
0x68: {  	_ =	shalt  }
0x69: {  	_ =	shalt  }
0x6a: {  	_ =	shalt  }
0x6b: {  	_ =	shalt  }
0x6c: {  	_ =	shalt  }
0x6d: {  	_ =	shalt  }
0x6e: {  	_ =	shalt  }
0x6f: {  	_ =	shalt  }
0x70: {  	_ =	shalt  }
0x71: {  	_ =	shalt  }
0x72: {  	_ =	shalt  }
0x73: {  	_ =	shalt  }
0x74: {  	_ =	shalt  }
0x75: {  	_ =	shalt  }
0x76: {  	_ =	shalt  }
0x77: {  	_ =	shalt  }
0x78: {  	_ =	shalt  }
0x79: {  	_ =	shalt  }
0x7a: {  	_ =	shalt  }
0x7b: {  	_ =	shalt  }
0x7c: {  	_ =	shalt  }
0x7d: {  	_ =	shalt  }
0x7e: {  	_ =	shalt  }
0x7f: {  	_ =	shalt  }
0x80: {  	_ =	shalt  }
0x81: {  	_ =	shalt  }
0x82: {  	_ =	shalt  }
0x83: {  	_ =	shalt  }
0x84: {  	_ =	shalt  }
0x85: {  	_ =	shalt  }
0x86: {  	_ =	shalt  }
0x87: {  	_ =	shalt  }
.Lfunc_end0:
.L_simem_size_0:
called_computation_lowered:
.L_overlay_start_0:
0x88: {  	s2 =	sld [smem:$0x3FD9]  }
0x89: {  	s3 =	sld [smem:$0x3FFE];
	_ =	sdelay $0x1  }
0x8a: {  	s1 =	srdreg.scid  }
0x8b: {  	s0 =	sand.u32 $0x1, s1  }
0x8c: {  	s18 =	sshll.u32 s0, $0xA;
	s2 =	sadd.s32 s3, s2  }
0x8d: {  	s2 =	sadd.s32 s2, s18  }
0x8e: {  	[smem:$0x3FC4] =	sst s2  }
0x8f: {  	_ = 	snop  }
0x90: {  	s2 =	sld [smem:$0x3FC9]  }
0x91: {  	s19 =	sld [smem:$0x3FC8]  }
0x92: {  	s4 =	sld [smem:$0x3FC7]  }
0x93: {  	s5 =	sld [smem:$0x3FC6]  }
0x94: {  	s6 =	sld [smem:$0x3FD0];
	(tm) =	ssettm $0x1  }
0x95: {  	s7 =	sld [smem:$0x3FFB];
	_ =	sdelay $0x3  }
0x96: {  	_ =	strace s7  }
0x97: {  	s7 =	sld [smem:$0x3FFC];
	_ =	sdelay $0x3  }
0x98: {  	_ =	strace s7  }
0x99: {  	s7 =	sld [smem:$0x3FFD];
	_ =	sdelay $0x3  }
0x9a: {  	_ =	strace s7  }
0x9b: {  	_ =	strace $0x8FFFFFFF  }
0x9c: {  	s20 =	sld [smem:$0x3FDB];
	_ =	sdelay $0x1  }
0x9d: {  	s8 =	simm.s32 $_scs_section_size  }
0x9e: {  	s9 =	simm.s32 $_size__tile_overlayer_lowered;
	s10 =	simm.s32 $_tile_overlayer_lowered  }
0x9f: {  	s23 =	simm.s32 $0x1BFF;
	s22 =	sshll.u32 s10, $0x1;
	s7 =	sadd.s32 s8, s20  }
0xa0: {  	s11 =	simm.s32 $0x0;
	s21 =	sshll.u32 s9, $0x1;
	s9 =	sadd.s32 s22, s7  }
0xa1: {  	[timem:s11], [sflag:s23] =	dma.local [hbm:s9], s21  }
0xa2: {  	_ =	swait.ge [sflag:s23], s21  }
0xa3: {  	s8 =	ssub.s32 $0x0, s21;
	[sflag:s23] =	ssyncset.done $0x0  }
0xa4: {  	[sflag:s23] =	ssyncadd.s32 s8;
	_ =	sdelay $0x1  }
0xa5: {  	s24 =	simm.s32 $0x1B8B  }
0xa6: {  	_ =	swait.ge [sflag:s24], $0x1  }
0xa7: {  	[sflag:s24] =	ssyncset.done $0x0  }
0xa8: {  	s25 =	simm.s32 $0x1B8E;
	[sflag:s24] =	ssyncadd.s32 $0xFFFFFFFF  }
0xa9: {  	s26 =	simm.s32 $execute0_lowered;
	[smem:$0x3FD2] =	sst s25  }
0xaa: {  	s8 =	sshll.u32 s26, $0x1;
	_ =	strace $0x80000046;
	[dreg:$0x1] =	wrdreg $0xFFFFFFFF  }
0xab: {  	s28 =	simm.s32 $_size_execute0_lowered;
	s7 =	sadd.s32 s7, s8;
	[dreg:$0x0] =	wrdreg $0x0  }
0xac: {  	s8 =	sshll.u32 s28, $0x1;
	[dreg:$0x2] =	wrdreg s7  }
0xad: {  	[dreg:$0x3] =	wrdreg s8  }
0xae: {  	[dreg:$0x4] =	wrdreg $0xC0  }
0xaf: {  	_ =	task [dreg:s11], $0x5FFFF  }
0xb0: {  	[dreg:$0x1] =	wrdreg $0xFFFFFFFF  }
0xb1: {  	[dreg:$0x0] =	wrdreg $0x60  }
0xb2: {  	[dreg:$0x2] =	wrdreg s2  }
0xb3: {  	[dreg:$0x3] =	wrdreg s19  }
0xb4: {  	[dreg:$0x4] =	wrdreg s4  }
0xb5: {  	[dreg:$0x5] =	wrdreg s5  }
0xb6: {  	[dreg:$0x6] =	wrdreg s6  }
0xb7: {  	[dreg:$0x7] =	wrdreg $0x9  }
0xb8: {  	_ =	task.clear_ibuf [dreg:s11], $0x8FFFF;
	_ =	strace $0x90000046  }
0xb9: {  	s29 =	simm.s32 $0x9;
	_ =	strace $0x80000048  }
0xba: {  	_ =	swait.ge [sflag:s29], $0x1  }
0xbb: {  	[sflag:s29] =	ssyncadd.s32 $0xFFFFFFFF  }
0xbc: {  	_ =	strace $0x90000048  }
0xbd: {  	_ =	sfence  }
0xbe: {  	s30 =	sld [smem:$0x0];
	_ =	sdelay $0x2  }
0xbf: {  	s31 =	sshll.u32 s1, $0xD;
	s1 =	sshrl.u32 s1, $0x2  }
0xc0: {  	s3 =	sand.u32 $0x4000, s31;
	s1 =	sadd.s32 s1, s30  }
0xc1: {  	s0 =	sor.u32 s3, s0;
	s1 =	sshll.u32 s1, $0x11  }
0xc2: {  	s0 =	sor.u32 s1, s0  }
0xc3: {  	s0 =	sadd.s32 $0x8F2B, s0  }
0xc4: {  	[sflag:s0] =	ssyncadd.remote.s32 $0x1  }
0xc5: {  	_ =	sfence.sel $0xFFFF  }
0xc6: {  	[dreg:$0x0] =	wrdreg $0xFFFFFFFF;
	(pc) =	sbr.abs _section_cstart, $3  }
0xc7: {  	[dreg:$0x1] =	wrdreg $0xFFFFFFFF  }
0xc8: {  	_ =	task.clear_ibuf [dreg:s11], $0x2FFFF;
	_ =	strace $0x9FFFFFFF  }
0xc9: {  	(tm) =	ssettm $0x7FFFFFFF  }
tec
execute0_lowered:
.L_overlay_start_1:
0x0: {  	(tag) =	ssettag $0x1  }
0x1: {  	s5 =	rddreg [dreg:$0x0]  }
0x2: {  	s6 =	rddreg [dreg:$0x1]  }
0x3: {  	v0 =	vimm.s32 $0xFEDCBA98;
	s0 =	rddreg [dreg:$0x2];
	v1 =	vimm.s32 $0x76543210  }
0x4: {  	s2 =	rddreg [dreg:$0x3];
	v2 =	vimm.s32 $0xBA98FEDC;
	v3 =	vimm.s32 $0x32107654;
	v4 =	vimm.s32 $0xDCFE98BA  }
0x5: {  	s7 =	rddreg [dreg:$0x4];
	s3 =	simm.s32 $0x0;
	s8 =	srdreg.scid;
	v5 =	vimm.s32 $0x54761032;
	v6 =	vimm.s32 $0xEFCDAB89;
	v7 =	vimm.s32 $0x67452301  }
0x6: {  	s4 =	stileid.u32;
	s12 =	simm.s32 $0x8400;
	s13 =	simm.s32 $0x80;
	v0 =	vunpack.c.l.s4.s8 v0;
	v1 =	vunpack.c.l.s4.s8 v1;
	v2 =	vunpack.c.l.s4.s8 v2  }
0x7: {  	s14 =	simm.s32 $0x4400;
	s15 =	simm.s32 $0xC400;
	s16 =	simm.s32 $0x1;
	v3 =	vunpack.c.l.s4.s8 v3;
	v4 =	vunpack.c.l.s4.s8 v4;
	v5 =	vunpack.c.l.s4.s8 v5  }
0x8: {  	s17 =	simm.s32 $0x2;
	s18 =	simm.s32 $0x3;
	s19 =	simm.s32 $0x4;
	v6 =	vunpack.c.l.s4.s8 v6;
	v7 =	vunpack.c.l.s4.s8 v7;
	v0 =	vunpack.c.0.s8.s32 v0  }
0x9: {  	s20 =	simm.s32 $0x10400;
	s21 =	simm.s32 $0x0;
	s8 =	sand.u32 $0x1, s8;
	v2 =	vunpack.c.0.s8.s32 v2;
	v3 =	vunpack.c.0.s8.s32 v3;
	v4 =	vunpack.c.0.s8.s32 v4  }
0xa: {  	[smem:$0x7FF] =	sst s3;
	s10 =	sshll.u32 s4, $0x7;
	s9 =	ssub.s32 $0x2, s8;
	v5 =	vunpack.c.0.s8.s32 v5;
	v6 =	vunpack.c.0.s8.s32 v6;
	v7 =	vunpack.c.0.s8.s32 v7  }
0xb: {  	s8 =	sshll.u32 s8, $0x6;
	_ =	strace $0x80000047;
	s11 =	sshrl.u32 s9, $0x1;
	v1 =	vunpack.c.0.s8.s32 v1;
	v2 =	vcombine.low v3, v2  }
0xc: {  	s8 =	sor.u32 s8, s10;
	s10 =	simm.s32 $0x200;
	s9 =	ssub.s32 s9, s11;
	v3 =	vcombine.low v5, v4;
	v4 =	vcombine.low v7, v6;
	v0 =	vand.u32 $0xF, v0  }
0xd: {  	s5 =	sadd.s32 s5, s8;
	s6 =	sadd.s32 s6, s8;
	s7 =	sadd.s32 s7, s8;
	v0 =	vcombine.low v0, v1;
	v1 =	vand.u32 $0xF, v2  }
0xe: {  	s11 =	simm.s32 $0x400;
	s8 =	smax.u32 s9, $0x1;
	s9 =	simm.s32 $0x5;
	v2 =	vand.u32 $0xF, v3;
	v3 =	vand.u32 $0xF, v4;
	v4 =	vlaneseq.u32  }
.LBB2_1:
0xf: {  	[tilespmem:s3], [sflag:$0x5] =	stream.linear.gather [hbm4b:s5+s3], $0x200, $0x38;
	[tilespmem:$0x10600] =	vst v63  }
0x10: {  	_ =	swait.ge [sflag:s9], $0x200  }
0x11: {  	[sflag:s9] =	ssyncset.done $0x0  }
0x12: {  	[sflag:s9] =	ssyncadd.s32 $0xFFFFFE00  }
0x13: {  	[tilespmem:s10], [sflag:$0x5] =	stream.linear.gather [hbm4b:s6+s3], $0x200, $0x38;
	[tilespmem:$0x10600] =	vst v63  }
0x14: {  	_ =	swait.ge [sflag:s9], $0x200  }
0x15: {  	[sflag:s9] =	ssyncset.done $0x0  }
0x16: {  	p1 =	por $0x1, $0x1;
	[sflag:s9] =	ssyncadd.s32 $0xFFFFFE00  }
0x17: {  	[tilespmem:s11], [sflag:$0x1] =	stream.indirect.gather [hbm4b:s0+s13], $0x80, s3, s13, $0xb8;
	[tilespmem:$0x10600] =	vst v63  }
0x18: {  	s23 =	simm.s32 $0x280;
	s24 =	simm.s32 $0x80;
	s22 =	simm.s32 $0x0  }
0x19: {  	[tilespmem:s12], [sflag:$0x2] =	stream.indirect.gather [hbm4b:s2+s13], $0x80, s10, s13, $0xb8;
	[tilespmem:$0x10600] =	vst v63  }
.LBB2_2:
0x1a: {  	[tilespmem:s14], [sflag:$0x3] =	stream.indirect.gather [hbm4b:s0+s13], $0x80, s24, s13, $0xb8;
	[tilespmem:$0x10600] =	vst v63  }
0x1b: {  	_ = 	snop  }
0x1c: {  	[tilespmem:s15], [sflag:$0x4] =	stream.indirect.gather [hbm4b:s2+s13], $0x80, s23, s13, $0xb8;
	[tilespmem:$0x10600] =	vst v63  }
0x1d: {  	_ =	swait.ge [sflag:s16], $0x4000  }
0x1e: {  	[sflag:s16] =	ssyncset.done $0x0  }
0x1f: {  	[sflag:s16] =	ssyncadd.s32 $0xFFFFC000  }
0x20: {  	s22 =	sshra.s32 s22, $0x2;
	p0 =	por p1, p1;
	_ =	swait.ge [sflag:s17], $0x4000  }
0x21: {  	s24 =	simm.s32 $0x8500;
	s26 =	sadd.s32 $0x10400, s22;
	[sflag:s17] =	ssyncset.done $0x0  }
0x22: {  	s25 =	simm.s32 $0x500;
	s23 =	simm.s32 $0x0;
	v5 =	vmov s26;
	[sflag:s17] =	ssyncadd.s32 $0xFFFFC000  }
.LBB2_3:
0x23: {  	v6 =	vld [tilespmem:s25+$0xF0]  }
0x24: {  	v8 =	vld [tilespmem:s25+$0x70]  }
0x25: {  	v9 =	vld [tilespmem:s25+$0xFFFFFFF0]  }
0x26: {  	v16 =	vld [tilespmem:s24+$0xFFFFFFF0]  }
0x27: {  	v7 =	vld [tilespmem:s25+$0xE0]  }
0x28: {  	v18 =	vld [tilespmem:s25+$0xFFFFFF70]  }
0x29: {  	v22 =	vld [tilespmem:s24+$0xFFFFFF70]  }
0x2a: {  	v10 =	vld [tilespmem:s25+$0x60]  }
0x2b: {  	v23 =	vld [tilespmem:s25+$0xFFFFFFE0]  }
0x2c: {  	v52 =	vld [tilespmem:s24+$0xFFFFFFE0]  }
0x2d: {  	v11 =	vld [tilespmem:s25+$0xD0]  }
0x2e: {  	v53 =	vld [tilespmem:s25+$0xFFFFFF60]  }
0x2f: {  	v54 =	vld [tilespmem:s24+$0xFFFFFF60]  }
0x30: {  	v12 =	vld [tilespmem:s25+$0x50]  }
0x31: {  	v19 =	vld [tilespmem:s25+$0xFFFFFFD0]  }
0x32: {  	v21 =	vld [tilespmem:s24+$0xFFFFFFD0]  }
0x33: {  	v13 =	vld [tilespmem:s25+$0xC0]  }
0x34: {  	v24 =	vld [tilespmem:s25+$0xFFFFFF50]  }
0x35: {  	v26 =	vld [tilespmem:s24+$0xFFFFFF50]  }
0x36: {  	v14 =	vld [tilespmem:s25+$0x40]  }
0x37: {  	v27 =	vld [tilespmem:s25+$0xFFFFFFC0]  }
0x38: {  	v28 =	vld [tilespmem:s24+$0xFFFFFFC0]  }
0x39: {  	v15 =	vld [tilespmem:s25+$0xB0]  }
0x3a: {  	v32 =	vld [tilespmem:s25+$0xFFFFFF40]  }
0x3b: {  	v34 =	vld [tilespmem:s24+$0xFFFFFF40]  }
0x3c: {  	v17 =	vld [tilespmem:s25+$0x30]  }
0x3d: {  	v33 =	vld [tilespmem:s25+$0xFFFFFFB0]  }
0x3e: {  	v35 =	vld [tilespmem:s24+$0xFFFFFFB0]  }
0x3f: {  	v20 =	vld [tilespmem:s25+$0xA0]  }
0x40: {  	v36 =	vld [tilespmem:s25+$0xFFFFFF30]  }
0x41: {  	v39 =	vld [tilespmem:s24+$0xFFFFFF30]  }
0x42: {  	v25 =	vld [tilespmem:s25+$0x20]  }
0x43: {  	v37 =	vld [tilespmem:s25+$0xFFFFFFA0]  }
0x44: {  	v40 =	vld [tilespmem:s24+$0xFFFFFFA0]  }
0x45: {  	v29 =	vld [tilespmem:s25+$0x80]  }
0x46: {  	v30 =	vld [tilespmem:s24+$0x80]  }
0x47: {  	v31 =	vld [tilespmem:s25+$0x90]  }
0x48: {  	v43 =	vld [tilespmem:s25+$0xFFFFFF20]  }
0x49: {  	v45 =	vld [tilespmem:s24+$0xFFFFFF20]  }
0x4a: {  	v38 =	vld [tilespmem:s25+$0x0]  }
0x4b: {  	v41 =	vld [tilespmem:s24+$0x0]  }
0x4c: {  	v42 =	vld [tilespmem:s25+$0x10]  }
0x4d: {  	v44 =	vld [tilespmem:s25+$0xFFFFFF80]  }
0x4e: {  	v46 =	vld [tilespmem:s24+$0xFFFFFF80]  }
0x4f: {  	v47 =	vld [tilespmem:s25+$0xFFFFFF90]  }
0x50: {  	v48 =	vld [tilespmem:s25+$0xFFFFFF00]  }
0x51: {  	v49 =	vld [tilespmem:s24+$0xFFFFFF00]  }
0x52: {  	v50 =	vld [tilespmem:s25+$0xFFFFFF10];
	s29 =	simm.s32 $0x4;
	v18 =	vmul.f32 v22, v18;
	v16 =	vmul.f32 v16, v9  }
0x53: {  	v51 =	vld [tilespmem:s24+$0xFFFFFF10];
	s28 =	smov.u32 s24;
	s30 =	smov.u32 s25;
	s26 =	simm.s32 $0x0;
	v9 =	vimm.f32 $0.0e+00;
	v22 =	vmul.f32 v54, v53;
	v23 =	vmul.f32 v52, v23  }
.LBB2_4:
0x54: {  	p1 =	slt.u32 s29, $0xC;
	v24 =	vmul.f32 v26, v24;
	v26 =	vld [tilespmem:s28+$0xFFFFFF90];
	v19 =	vmul.f32 v21, v19  }
0x55: {  	v21 =	vmul.f32 v34, v32;
	v27 =	vmul.f32 v28, v27;
	v28 =	vld [tilespmem:s28+$0x10]  }
0x56: {  	v32 =	vmul.f32 v39, v36;
	v33 =	vmul.f32 v35, v33;
	v34 =	vld [tilespmem:s28+$0x90]  }
0x57: {  	v35 =	vmul.f32 v45, v43;
	v36 =	vmul.f32 v40, v37;
	v37 =	vld [tilespmem:s28+$0x20]  }
0x58: {  	v39 =	vmul.f32 v49, v48;
	v40 =	vmul.f32 v51, v50;
	v43 =	vld [tilespmem:s28+$0xA0]  }
0x59: {  	v44 =	vmul.f32 v46, v44;
	v26 =	vmul.f32 v26, v47;
	v45 =	vld [tilespmem:s28+$0x30]  }
0x5a: {  	v38 =	vmul.f32 v41, v38;
	v39 =	vadd.f32 v40, v39;
	v28 =	vmul.f32 v28, v42;
	v40 =	vld [tilespmem:s28+$0xB0]  }
0x5b: {  	v29 =	vmul.f32 v30, v29;
	v26 =	vadd.f32 v26, v44;
	v41 =	vld [tilespmem:s28+$0x40];
	v30 =	vmul.f32 v34, v31  }
0x5c: {  	v31 =	vadd.f32 v35, v39;
	v28 =	vadd.f32 v28, v38;
	v25 =	vmul.f32 v37, v25;
	v34 =	vld [tilespmem:s28+$0xC0]  }
0x5d: {  	v26 =	vadd.f32 v36, v26;
	v35 =	vld [tilespmem:s28+$0x50];
	v29 =	vadd.f32 v30, v29;
	v20 =	vmul.f32 v43, v20  }
0x5e: {  	v30 =	vadd.f32 v32, v31;
	v25 =	vadd.f32 v25, v28;
	v17 =	vmul.f32 v45, v17;
	v28 =	vld [tilespmem:s28+$0xD0]  }
0x5f: {  	v26 =	vadd.f32 v33, v26;
	v31 =	vld [tilespmem:s28+$0x60];
	v20 =	vadd.f32 v20, v29;
	v15 =	vmul.f32 v40, v15  }
0x60: {  	v21 =	vadd.f32 v21, v30;
	v17 =	vadd.f32 v17, v25;
	v14 =	vmul.f32 v41, v14;
	v25 =	vld [tilespmem:s28+$0xE0]  }
0x61: {  	v26 =	vadd.f32 v27, v26;
	v27 =	vld [tilespmem:s28+$0x70];
	v15 =	vadd.f32 v15, v20;
	v13 =	vmul.f32 v34, v13  }
0x62: {  	s30 =	sadd.s32 $0x200, s30;
	v20 =	vadd.f32 v24, v21;
	v14 =	vadd.f32 v14, v17;
	v12 =	vmul.f32 v35, v12;
	v17 =	vld [tilespmem:s28+$0xF0]  }
0x63: {  	v21 =	vld [tilespmem:s30+$0xF0];
	v19 =	vadd.f32 v19, v26;
	v13 =	vadd.f32 v13, v15;
	v11 =	vmul.f32 v28, v11  }
0x64: {  	v15 =	vld [tilespmem:s30+$0x70];
	v20 =	vadd.f32 v22, v20;
	v12 =	vadd.f32 v12, v14;
	v10 =	vmul.f32 v31, v10  }
0x65: {  	s28 =	sadd.s32 $0x200, s28;
	v22 =	vld [tilespmem:s30+$0xFFFFFFF0];
	v14 =	vadd.f32 v23, v19;
	v11 =	vadd.f32 v11, v13;
	v13 =	vmul.f32 v25, v7  }
0x66: {  	v23 =	vld [tilespmem:s28+$0xFFFFFFF0];
	v19 =	vadd.f32 v18, v20;
	v10 =	vadd.f32 v10, v12;
	v24 =	vmul.f32 v27, v8  }
0x67: {  	v7 =	vld [tilespmem:s30+$0xE0];
	v12 =	vadd.f32 v16, v14;
	v11 =	vadd.f32 v13, v11;
	v13 =	vmul.f32 v17, v6  }
0x68: {  	v16 =	vld [tilespmem:s30+$0xFFFFFF70];
	v14 =	vperm.xlane v19, v0;
	v17 =	vadd.f32 v24, v10;
	v6 =	vmov v21  }
0x69: {  	v18 =	vld [tilespmem:s28+$0xFFFFFF70];
	v20 =	vperm.xlane v12, v0;
	v13 =	vadd.f32 v13, v11;
	v8 =	vmov v15  }
0x6a: {  	v10 =	vld [tilespmem:s30+$0x60];
	v14 =	vadd.f32 v19, v14;
	v11 =	vperm.xlane v17, v0  }
0x6b: {  	v52 =	vld [tilespmem:s30+$0xFFFFFFE0];
	v12 =	vadd.f32 v12, v20;
	v15 =	vperm.xlane v13, v0  }
0x6c: {  	v53 =	vld [tilespmem:s28+$0xFFFFFFE0];
	v19 =	vperm.xlane v14, v1;
	v17 =	vadd.f32 v17, v11  }
0x6d: {  	v11 =	vld [tilespmem:s30+$0xD0];
	v20 =	vperm.xlane v12, v1;
	v13 =	vadd.f32 v13, v15  }
0x6e: {  	v54 =	vld [tilespmem:s30+$0xFFFFFF60];
	v14 =	vadd.f32 v14, v19;
	v15 =	vperm.xlane v17, v1  }
0x6f: {  	v55 =	vld [tilespmem:s28+$0xFFFFFF60];
	v20 =	vadd.f32 v12, v20;
	v21 =	vperm.xlane v13, v1  }
0x70: {  	v12 =	vld [tilespmem:s30+$0x50];
	v24 =	vperm.xlane v14, v2;
	v15 =	vadd.f32 v17, v15  }
0x71: {  	v19 =	vld [tilespmem:s30+$0xFFFFFFD0];
	v17 =	vperm.xlane v20, v2;
	v25 =	vadd.f32 v13, v21  }
0x72: {  	v21 =	vld [tilespmem:s28+$0xFFFFFFD0];
	v27 =	vadd.f32 v14, v24;
	v14 =	vperm.xlane v15, v2  }
0x73: {  	s31 =	sadd.s32 $0x3, s26;
	v28 =	vmov s26;
	v13 =	vld [tilespmem:s30+$0xC0];
	v17 =	vadd.f32 v20, v17;
	v20 =	vperm.xlane v25, v2  }
0x74: {  	s1 =	sadd.s32 $0x2, s26;
	v30 =	vmov s31;
	v24 =	vld [tilespmem:s30+$0xFFFFFF50];
	v29 =	vperm.xlane v27, v3;
	v15 =	vadd.f32 v15, v14  }
0x75: {  	v32 =	vmov s1;
	v26 =	vld [tilespmem:s28+$0xFFFFFF50];
	v31 =	vperm.xlane v17, v3;
	v20 =	vadd.f32 v25, v20  }
0x76: {  	s1 =	sadd.s32 $0x1, s26;
	s26 =	smov.u32 s29;
	vm0 =	veq.s32 v28, v4;
	v14 =	vld [tilespmem:s30+$0x40];
	v25 =	vadd.f32 v27, v29;
	v29 =	vperm.xlane v15, v3  }
0x77: {  	v27 =	vld [tilespmem:s30+$0xFFFFFFC0];
	v17 =	vadd.f32 v17, v31;
	v31 =	vmov s1;
	v33 =	vperm.xlane v20, v3  }
0x78: {  	v28 =	vld [tilespmem:s28+$0xFFFFFFC0];
	v9 =	vsel vm0, v25, v9;
	vm0 =	veq.s32 v31, v4;
	v25 =	vadd.f32 v15, v29  }
0x79: {  	v15 =	vld [tilespmem:s30+$0xB0];
	v9 =	vsel vm0, v17, v9;
	vm0 =	veq.s32 v32, v4;
	v17 =	vadd.f32 v20, v33  }
0x7a: {  	v32 =	vld [tilespmem:s30+$0xFFFFFF40];
	v9 =	vsel vm0, v25, v9;
	vm0 =	veq.s32 v30, v4  }
0x7b: {  	v34 =	vld [tilespmem:s28+$0xFFFFFF40];
	v9 =	vsel vm0, v17, v9  }
0x7c: {  	v17 =	vld [tilespmem:s30+$0x30]  }
0x7d: {  	v33 =	vld [tilespmem:s30+$0xFFFFFFB0]  }
0x7e: {  	v35 =	vld [tilespmem:s28+$0xFFFFFFB0]  }
0x7f: {  	v20 =	vld [tilespmem:s30+$0xA0]  }
0x80: {  	v36 =	vld [tilespmem:s30+$0xFFFFFF30]  }
0x81: {  	v39 =	vld [tilespmem:s28+$0xFFFFFF30]  }
0x82: {  	v25 =	vld [tilespmem:s30+$0x20]  }
0x83: {  	v37 =	vld [tilespmem:s30+$0xFFFFFFA0]  }
0x84: {  	v40 =	vld [tilespmem:s28+$0xFFFFFFA0]  }
0x85: {  	v29 =	vld [tilespmem:s30+$0x80]  }
0x86: {  	v30 =	vld [tilespmem:s28+$0x80]  }
0x87: {  	v31 =	vld [tilespmem:s30+$0x90]  }
0x88: {  	v43 =	vld [tilespmem:s30+$0xFFFFFF20]  }
0x89: {  	v45 =	vld [tilespmem:s28+$0xFFFFFF20]  }
0x8a: {  	v38 =	vld [tilespmem:s30+$0x0]  }
0x8b: {  	v41 =	vld [tilespmem:s28+$0x0]  }
0x8c: {  	v42 =	vld [tilespmem:s30+$0x10]  }
0x8d: {  	v44 =	vld [tilespmem:s30+$0xFFFFFF80]  }
0x8e: {  	v46 =	vld [tilespmem:s28+$0xFFFFFF80]  }
.Ltmp0:
0x8f: {  	v47 =	vld [tilespmem:s30+$0xFFFFFF90];
	(pc) =	sbr.rel @p1 .LBB2_4-.Ltmp0, $4  }
0x90: {  	v48 =	vld [tilespmem:s30+$0xFFFFFF00]  }
0x91: {  	v49 =	vld [tilespmem:s28+$0xFFFFFF00]  }
0x92: {  	v18 =	vmul.f32 v18, v16;
	v16 =	vmul.f32 v23, v22;
	v50 =	vld [tilespmem:s30+$0xFFFFFF10]  }
0x93: {  	s29 =	sadd.s32 $0x4, s29;
	v23 =	vmul.f32 v53, v52;
	v22 =	vmul.f32 v55, v54;
	v51 =	vld [tilespmem:s28+$0xFFFFFF10]  }
0x94: {  	v24 =	vmul.f32 v26, v24;
	v59 =	vld [tilespmem:s28+$0xFFFFFF90];
	v19 =	vmul.f32 v21, v19  }
0x95: {  	v21 =	vmul.f32 v34, v32;
	v27 =	vmul.f32 v28, v27;
	v60 =	vld [tilespmem:s28+$0x10]  }
0x96: {  	v32 =	vmul.f32 v39, v36;
	v33 =	vmul.f32 v35, v33;
	v61 =	vld [tilespmem:s28+$0x90]  }
0x97: {  	v62 =	vmul.f32 v45, v43;
	v63 =	vmul.f32 v40, v37;
	v52 =	vld [tilespmem:s28+$0x20]  }
0x98: {  	v55 =	vld [tilespmem:s28+$0xA0];
	v53 =	vmul.f32 v49, v48;
	v54 =	vmul.f32 v51, v50  }
0x99: {  	v44 =	vmul.f32 v46, v44;
	v56 =	vld [tilespmem:s28+$0x30];
	v26 =	vmul.f32 v59, v47  }
0x9a: {  	v38 =	vmul.f32 v41, v38;
	v57 =	vld [tilespmem:s28+$0xB0];
	v28 =	vmul.f32 v60, v42;
	v39 =	vadd.f32 v54, v53  }
0x9b: {  	v58 =	vld [tilespmem:s28+$0x40];
	v29 =	vmul.f32 v30, v29;
	v59 =	vmul.f32 v61, v31;
	v26 =	vadd.f32 v26, v44  }
0x9c: {  	v25 =	vmul.f32 v52, v25;
	v61 =	vld [tilespmem:s28+$0xC0];
	v28 =	vadd.f32 v28, v38;
	v60 =	vadd.f32 v62, v39  }
0x9d: {  	v20 =	vmul.f32 v55, v20;
	v29 =	vadd.f32 v59, v29;
	v62 =	vld [tilespmem:s28+$0x50];
	v26 =	vadd.f32 v63, v26  }
0x9e: {  	v36 =	vld [tilespmem:s28+$0xD0];
	v17 =	vmul.f32 v56, v17;
	v25 =	vadd.f32 v25, v28;
	v63 =	vadd.f32 v32, v60  }
0x9f: {  	v37 =	vld [tilespmem:s28+$0x60];
	v15 =	vmul.f32 v57, v15;
	v20 =	vadd.f32 v20, v29;
	v26 =	vadd.f32 v33, v26  }
0xa0: {  	v14 =	vmul.f32 v58, v14;
	v38 =	vld [tilespmem:s28+$0xE0];
	v17 =	vadd.f32 v17, v25;
	v21 =	vadd.f32 v21, v63  }
0xa1: {  	v39 =	vld [tilespmem:s28+$0x70];
	v13 =	vmul.f32 v61, v13;
	v15 =	vadd.f32 v15, v20;
	v26 =	vadd.f32 v27, v26  }
0xa2: {  	v41 =	vld [tilespmem:s28+$0xF0];
	v14 =	vadd.f32 v14, v17;
	v12 =	vmul.f32 v62, v12;
	v40 =	vadd.f32 v24, v21  }
0xa3: {  	v11 =	vmul.f32 v36, v11;
	v13 =	vadd.f32 v13, v15;
	v19 =	vadd.f32 v19, v26  }
0xa4: {  	v10 =	vmul.f32 v37, v10;
	v12 =	vadd.f32 v12, v14;
	v42 =	vadd.f32 v22, v40  }
0xa5: {  	v7 =	vmul.f32 v38, v7;
	v11 =	vadd.f32 v11, v13;
	v43 =	vadd.f32 v23, v19  }
0xa6: {  	v8 =	vmul.f32 v39, v8;
	v10 =	vadd.f32 v10, v12;
	v44 =	vadd.f32 v18, v42  }
0xa7: {  	v6 =	vmul.f32 v41, v6;
	v7 =	vadd.f32 v7, v11;
	v45 =	vadd.f32 v16, v43  }
0xa8: {  	v8 =	vadd.f32 v8, v10;
	v46 =	vperm.xlane v44, v0  }
0xa9: {  	v6 =	vadd.f32 v6, v7;
	v47 =	vperm.xlane v45, v0  }
0xaa: {  	v48 =	vperm.xlane v8, v0;
	v7 =	vadd.f32 v44, v46  }
0xab: {  	v49 =	vperm.xlane v6, v0;
	v10 =	vadd.f32 v45, v47  }
0xac: {  	v8 =	vadd.f32 v8, v48;
	v13 =	vperm.xlane v7, v1  }
0xad: {  	v6 =	vadd.f32 v6, v49;
	v50 =	vperm.xlane v10, v1  }
0xae: {  	v51 =	vperm.xlane v8, v1;
	v7 =	vadd.f32 v7, v13  }
0xaf: {  	v52 =	vperm.xlane v6, v1;
	v10 =	vadd.f32 v10, v50  }
0xb0: {  	v8 =	vadd.f32 v8, v51;
	v13 =	vperm.xlane v7, v2  }
0xb1: {  	v6 =	vadd.f32 v6, v52;
	v53 =	vperm.xlane v10, v2  }
0xb2: {  	v54 =	vperm.xlane v8, v2;
	v7 =	vadd.f32 v7, v13  }
0xb3: {  	s1 =	sadd.s32 $0x3, s26;
	v55 =	vmov s26;
	v56 =	vperm.xlane v6, v2;
	v10 =	vadd.f32 v10, v53  }
0xb4: {  	v58 =	vmov s1;
	v8 =	vadd.f32 v8, v54;
	v57 =	vperm.xlane v7, v3  }
0xb5: {  	s29 =	sadd.s32 $0x2, s26;
	vm0 =	veq.s32 v55, v4;
	v6 =	vadd.f32 v6, v56;
	v59 =	vperm.xlane v10, v3  }
0xb6: {  	s30 =	sadd.s32 $0x1, s26;
	s31 =	sshll.u32 s23, $0x4;
	s23 =	sadd.s32 $0x1, s23;
	v60 =	vmov s29;
	v61 =	vperm.xlane v8, v3;
	v7 =	vadd.f32 v7, v57  }
0xb7: {  	p1 =	sne.s32 s23, $0x8;
	v62 =	vmov s30;
	v63 =	vperm.xlane v6, v3;
	v10 =	vadd.f32 v10, v59  }
.Ltmp1:
0xb8: {  	vm13 =	veq.s32 v62, v4;
	v8 =	vadd.f32 v8, v61;
	v7 =	vsel vm0, v7, v9;
	(pc) =	sbr.rel @p1 .LBB2_3-.Ltmp1, $4  }
0xb9: {  	vm14 =	veq.s32 v60, v4;
	v6 =	vadd.f32 v6, v63;
	v7 =	vsel vm13, v10, v7  }
0xba: {  	vm15 =	veq.s32 v58, v4;
	v7 =	vsel vm14, v8, v7  }
0xbb: {  	s1 =	sand.u32 $0x3FFFFFF0, s31;
	v6 =	vsel vm15, v6, v7  }
0xbc: {  	s24 =	sadd.s32 $0x800, s24;
	s25 =	sadd.s32 $0x800, s25;
	[tilespmem:v5+s1+$0x0 ss:$0x1] =	vst.idx.msk $0xffff, v6  }
0xbd: {  	s1 =	simm.s32 @p0 $0x80;
	s23 =	simm.s32 @p0 $0x100;
	s24 =	simm.s32 @p0 $0x400  }
0xbe: {  	[tilespmem:s24], [sflag:$0x1] =	stream.indirect.gather @p0 [hbm4b:s0+s1], $0x80, s23, s1, $0xb8;
	[tilespmem:$0x10600] =	vst v63  }
0xbf: {  	s23 =	simm.s32 @p0 $0x300;
	s24 =	simm.s32 @p0 $0x8400  }
0xc0: {  	[tilespmem:s24], [sflag:$0x2] =	stream.indirect.gather @p0 [hbm4b:s2+s1], $0x80, s23, s1, $0xb8;
	[tilespmem:$0x10600] =	vst v63  }
0xc1: {  	_ =	swait.ge [sflag:s18], $0x4000  }
0xc2: {  	[sflag:s18] =	ssyncset.done $0x0  }
0xc3: {  	[sflag:s18] =	ssyncadd.s32 $0xFFFFC000  }
0xc4: {  	_ =	swait.ge [sflag:s19], $0x4000  }
0xc5: {  	s31 =	sadd.s32 $0x10480, s22;
	[sflag:s19] =	ssyncset.done $0x0  }
0xc6: {  	s22 =	simm.s32 $0x0;
	v5 =	vmov s31;
	s23 =	simm.s32 $0x0;
	[sflag:s19] =	ssyncadd.s32 $0xFFFFC000  }
.LBB2_7:
0xc7: {  	s24 =	sshra.s32 s22, $0x2  }
0xc8: {  	v6 =	vld [tilespmem:s24+$0x45F0]  }
0xc9: {  	v8 =	vld [tilespmem:s24+$0x4570]  }
0xca: {  	v18 =	vld [tilespmem:s24+$0x44F0]  }
0xcb: {  	v26 =	vld [tilespmem:s24+$0xC4F0]  }
0xcc: {  	v7 =	vld [tilespmem:s24+$0x45E0]  }
0xcd: {  	v20 =	vld [tilespmem:s24+$0x4470]  }
0xce: {  	v27 =	vld [tilespmem:s24+$0xC470]  }
0xcf: {  	v10 =	vld [tilespmem:s24+$0x4560]  }
0xd0: {  	v16 =	vld [tilespmem:s24+$0x44E0]  }
0xd1: {  	v17 =	vld [tilespmem:s24+$0xC4E0]  }
0xd2: {  	v11 =	vld [tilespmem:s24+$0x45D0]  }
0xd3: {  	v21 =	vld [tilespmem:s24+$0x4460]  }
0xd4: {  	v22 =	vld [tilespmem:s24+$0xC460]  }
0xd5: {  	v12 =	vld [tilespmem:s24+$0x4550]  }
0xd6: {  	v23 =	vld [tilespmem:s24+$0x44D0]  }
0xd7: {  	v25 =	vld [tilespmem:s24+$0xC4D0]  }
0xd8: {  	v13 =	vld [tilespmem:s24+$0x45C0]  }
0xd9: {  	v28 =	vld [tilespmem:s24+$0x4450]  }
0xda: {  	v30 =	vld [tilespmem:s24+$0xC450]  }
0xdb: {  	v14 =	vld [tilespmem:s24+$0x4540]  }
0xdc: {  	v31 =	vld [tilespmem:s24+$0x44C0]  }
0xdd: {  	v32 =	vld [tilespmem:s24+$0xC4C0]  }
0xde: {  	v15 =	vld [tilespmem:s24+$0x45B0]  }
0xdf: {  	v36 =	vld [tilespmem:s24+$0x4440]  }
0xe0: {  	v38 =	vld [tilespmem:s24+$0xC440]  }
0xe1: {  	v19 =	vld [tilespmem:s24+$0x4530]  }
0xe2: {  	v37 =	vld [tilespmem:s24+$0x44B0]  }
0xe3: {  	v39 =	vld [tilespmem:s24+$0xC4B0]  }
0xe4: {  	v24 =	vld [tilespmem:s24+$0x45A0]  }
0xe5: {  	v40 =	vld [tilespmem:s24+$0x4430]  }
0xe6: {  	v43 =	vld [tilespmem:s24+$0xC430]  }
0xe7: {  	v29 =	vld [tilespmem:s24+$0x4520]  }
0xe8: {  	v41 =	vld [tilespmem:s24+$0x44A0]  }
0xe9: {  	v44 =	vld [tilespmem:s24+$0xC4A0]  }
0xea: {  	v33 =	vld [tilespmem:s24+$0x4580]  }
0xeb: {  	v34 =	vld [tilespmem:s24+$0xC580]  }
0xec: {  	v35 =	vld [tilespmem:s24+$0x4590]  }
0xed: {  	v47 =	vld [tilespmem:s24+$0x4420]  }
0xee: {  	v49 =	vld [tilespmem:s24+$0xC420]  }
0xef: {  	v42 =	vld [tilespmem:s24+$0x4500]  }
0xf0: {  	v45 =	vld [tilespmem:s24+$0xC500]  }
0xf1: {  	v46 =	vld [tilespmem:s24+$0x4510]  }
0xf2: {  	v48 =	vld [tilespmem:s24+$0x4480]  }
0xf3: {  	v50 =	vld [tilespmem:s24+$0xC480]  }
0xf4: {  	v51 =	vld [tilespmem:s24+$0x4490]  }
0xf5: {  	v52 =	vld [tilespmem:s24+$0x4400]  }
0xf6: {  	v53 =	vld [tilespmem:s24+$0xC400]  }
0xf7: {  	v9 =	vimm.f32 $0.0e+00;
	s26 =	simm.s32 $0x4;
	s28 =	smov.u32 s22;
	s25 =	simm.s32 $0x0;
	v54 =	vld [tilespmem:s24+$0x4410];
	v20 =	vmul.f32 v27, v20;
	v18 =	vmul.f32 v26, v18  }
.LBB2_8:
0xf8: {  	p1 =	slt.u32 s26, $0xC;
	v26 =	vld [tilespmem:s24+$0xC410];
	v21 =	vmul.f32 v22, v21;
	v16 =	vmul.f32 v17, v16  }
0xf9: {  	v17 =	vmul.f32 v30, v28;
	v23 =	vmul.f32 v25, v23;
	v22 =	vld [tilespmem:s24+$0xC490]  }
0xfa: {  	v25 =	vmul.f32 v38, v36;
	v27 =	vmul.f32 v32, v31;
	v28 =	vld [tilespmem:s24+$0xC510]  }
0xfb: {  	v30 =	vmul.f32 v43, v40;
	v31 =	vmul.f32 v39, v37;
	v32 =	vld [tilespmem:s24+$0xC590]  }
0xfc: {  	v36 =	vmul.f32 v49, v47;
	v37 =	vmul.f32 v44, v41;
	v38 =	vld [tilespmem:s24+$0xC520]  }
0xfd: {  	v39 =	vmul.f32 v53, v52;
	v26 =	vmul.f32 v26, v54;
	v40 =	vld [tilespmem:s24+$0xC5A0]  }
0xfe: {  	v41 =	vmul.f32 v50, v48;
	v22 =	vmul.f32 v22, v51;
	v43 =	vld [tilespmem:s24+$0xC530]  }
0xff: {  	v26 =	vadd.f32 v26, v39;
	v39 =	vmul.f32 v45, v42;
	v28 =	vmul.f32 v28, v46;
	v42 =	vld [tilespmem:s24+$0xC5B0]  }
0x100: {  	v33 =	vmul.f32 v34, v33;
	v22 =	vadd.f32 v22, v41;
	v41 =	vld [tilespmem:s24+$0xC540];
	v32 =	vmul.f32 v32, v35  }
0x101: {  	v26 =	vadd.f32 v36, v26;
	v28 =	vadd.f32 v28, v39;
	v29 =	vmul.f32 v38, v29;
	v34 =	vld [tilespmem:s24+$0xC5C0]  }
0x102: {  	v22 =	vadd.f32 v37, v22;
	v35 =	vld [tilespmem:s24+$0xC550];
	v32 =	vadd.f32 v32, v33;
	v24 =	vmul.f32 v40, v24  }
0x103: {  	v26 =	vadd.f32 v30, v26;
	v28 =	vadd.f32 v29, v28;
	v19 =	vmul.f32 v43, v19;
	v29 =	vld [tilespmem:s24+$0xC5D0]  }
0x104: {  	v22 =	vadd.f32 v31, v22;
	v30 =	vld [tilespmem:s24+$0xC560];
	v24 =	vadd.f32 v24, v32;
	v15 =	vmul.f32 v42, v15  }
0x105: {  	v25 =	vadd.f32 v25, v26;
	v19 =	vadd.f32 v19, v28;
	v14 =	vmul.f32 v41, v14;
	v28 =	vld [tilespmem:s24+$0xC5E0]  }
0x106: {  	s28 =	sadd.s32 $0x800, s28;
	v22 =	vadd.f32 v27, v22;
	v31 =	vld [tilespmem:s24+$0xC570];
	v15 =	vadd.f32 v15, v24;
	v13 =	vmul.f32 v34, v13  }
0x107: {  	v17 =	vadd.f32 v17, v25;
	v14 =	vadd.f32 v14, v19;
	v12 =	vmul.f32 v35, v12;
	v19 =	vld [tilespmem:s24+$0xC5F0];
	s24 =	sshra.s32 s28, $0x2  }
0x108: {  	v24 =	vld [tilespmem:s24+$0x45F0];
	v22 =	vadd.f32 v23, v22;
	v13 =	vadd.f32 v13, v15;
	v11 =	vmul.f32 v29, v11  }
0x109: {  	v15 =	vld [tilespmem:s24+$0x4570];
	v17 =	vadd.f32 v21, v17;
	v12 =	vadd.f32 v12, v14;
	v10 =	vmul.f32 v30, v10  }
0x10a: {  	v26 =	vld [tilespmem:s24+$0x44F0];
	v14 =	vadd.f32 v16, v22;
	v11 =	vadd.f32 v11, v13;
	v13 =	vmul.f32 v28, v7  }
0x10b: {  	v27 =	vld [tilespmem:s24+$0xC4F0];
	v16 =	vadd.f32 v20, v17;
	v10 =	vadd.f32 v10, v12;
	v21 =	vmul.f32 v31, v8  }
0x10c: {  	v7 =	vld [tilespmem:s24+$0x45E0];
	v12 =	vadd.f32 v18, v14;
	v11 =	vadd.f32 v13, v11;
	v13 =	vmul.f32 v19, v6  }
0x10d: {  	v18 =	vld [tilespmem:s24+$0x4470];
	v14 =	vperm.xlane v16, v0;
	v19 =	vadd.f32 v21, v10;
	v6 =	vmov v24  }
0x10e: {  	v20 =	vld [tilespmem:s24+$0xC470];
	v17 =	vperm.xlane v12, v0;
	v13 =	vadd.f32 v13, v11;
	v8 =	vmov v15  }
0x10f: {  	v10 =	vld [tilespmem:s24+$0x4560];
	v14 =	vadd.f32 v16, v14;
	v11 =	vperm.xlane v19, v0  }
0x110: {  	v16 =	vld [tilespmem:s24+$0x44E0];
	v12 =	vadd.f32 v12, v17;
	v15 =	vperm.xlane v13, v0  }
0x111: {  	v17 =	vld [tilespmem:s24+$0xC4E0];
	v22 =	vperm.xlane v14, v1;
	v19 =	vadd.f32 v19, v11  }
0x112: {  	v11 =	vld [tilespmem:s24+$0x45D0];
	v23 =	vperm.xlane v12, v1;
	v13 =	vadd.f32 v13, v15  }
0x113: {  	v21 =	vld [tilespmem:s24+$0x4460];
	v14 =	vadd.f32 v14, v22;
	v15 =	vperm.xlane v19, v1  }
0x114: {  	v22 =	vld [tilespmem:s24+$0xC460];
	v24 =	vadd.f32 v12, v23;
	v25 =	vperm.xlane v13, v1  }
0x115: {  	v12 =	vld [tilespmem:s24+$0x4550];
	v28 =	vperm.xlane v14, v2;
	v15 =	vadd.f32 v19, v15  }
0x116: {  	v23 =	vld [tilespmem:s24+$0x44D0];
	v19 =	vperm.xlane v24, v2;
	v29 =	vadd.f32 v13, v25  }
0x117: {  	v25 =	vld [tilespmem:s24+$0xC4D0];
	v31 =	vadd.f32 v14, v28;
	v14 =	vperm.xlane v15, v2  }
0x118: {  	s1 =	sadd.s32 $0x3, s25;
	v32 =	vmov s25;
	v13 =	vld [tilespmem:s24+$0x45C0];
	v19 =	vadd.f32 v24, v19;
	v24 =	vperm.xlane v29, v2  }
0x119: {  	s29 =	sadd.s32 $0x2, s25;
	v34 =	vmov s1;
	v28 =	vld [tilespmem:s24+$0x4450];
	v33 =	vperm.xlane v31, v3;
	v15 =	vadd.f32 v15, v14  }
0x11a: {  	v36 =	vmov s29;
	v30 =	vld [tilespmem:s24+$0xC450];
	v35 =	vperm.xlane v19, v3;
	v24 =	vadd.f32 v29, v24  }
0x11b: {  	vm0 =	veq.s32 v32, v4;
	s1 =	sadd.s32 $0x1, s25;
	s25 =	smov.u32 s26;
	v14 =	vld [tilespmem:s24+$0x4540];
	v29 =	vadd.f32 v31, v33;
	v33 =	vperm.xlane v15, v3  }
0x11c: {  	v31 =	vld [tilespmem:s24+$0x44C0];
	v19 =	vadd.f32 v19, v35;
	v35 =	vmov s1;
	v37 =	vperm.xlane v24, v3  }
0x11d: {  	v32 =	vld [tilespmem:s24+$0xC4C0];
	v9 =	vsel vm0, v29, v9;
	vm0 =	veq.s32 v35, v4;
	v29 =	vadd.f32 v15, v33  }
0x11e: {  	v15 =	vld [tilespmem:s24+$0x45B0];
	v9 =	vsel vm0, v19, v9;
	vm0 =	veq.s32 v36, v4;
	v19 =	vadd.f32 v24, v37  }
0x11f: {  	v36 =	vld [tilespmem:s24+$0x4440];
	v9 =	vsel vm0, v29, v9;
	vm0 =	veq.s32 v34, v4  }
0x120: {  	v38 =	vld [tilespmem:s24+$0xC440];
	v9 =	vsel vm0, v19, v9  }
0x121: {  	v19 =	vld [tilespmem:s24+$0x4530]  }
0x122: {  	v37 =	vld [tilespmem:s24+$0x44B0]  }
0x123: {  	v39 =	vld [tilespmem:s24+$0xC4B0]  }
0x124: {  	v24 =	vld [tilespmem:s24+$0x45A0]  }
0x125: {  	v40 =	vld [tilespmem:s24+$0x4430]  }
0x126: {  	v43 =	vld [tilespmem:s24+$0xC430]  }
0x127: {  	v29 =	vld [tilespmem:s24+$0x4520]  }
0x128: {  	v41 =	vld [tilespmem:s24+$0x44A0]  }
0x129: {  	v44 =	vld [tilespmem:s24+$0xC4A0]  }
0x12a: {  	v33 =	vld [tilespmem:s24+$0x4580]  }
0x12b: {  	v34 =	vld [tilespmem:s24+$0xC580]  }
0x12c: {  	v35 =	vld [tilespmem:s24+$0x4590]  }
0x12d: {  	v47 =	vld [tilespmem:s24+$0x4420]  }
0x12e: {  	v49 =	vld [tilespmem:s24+$0xC420]  }
0x12f: {  	v42 =	vld [tilespmem:s24+$0x4500]  }
0x130: {  	v45 =	vld [tilespmem:s24+$0xC500]  }
0x131: {  	v46 =	vld [tilespmem:s24+$0x4510]  }
0x132: {  	v48 =	vld [tilespmem:s24+$0x4480]  }
.Ltmp2:
0x133: {  	v50 =	vld [tilespmem:s24+$0xC480];
	(pc) =	sbr.rel @p1 .LBB2_8-.Ltmp2, $4  }
0x134: {  	v51 =	vld [tilespmem:s24+$0x4490]  }
0x135: {  	v52 =	vld [tilespmem:s24+$0x4400]  }
0x136: {  	v53 =	vld [tilespmem:s24+$0xC400]  }
0x137: {  	s26 =	sadd.s32 $0x4, s26;
	v20 =	vmul.f32 v20, v18;
	v18 =	vmul.f32 v27, v26;
	v54 =	vld [tilespmem:s24+$0x4410]  }
0x138: {  	v26 =	vld [tilespmem:s24+$0xC410];
	v21 =	vmul.f32 v22, v21;
	v16 =	vmul.f32 v17, v16  }
0x139: {  	v17 =	vmul.f32 v30, v28;
	v61 =	vld [tilespmem:s24+$0xC490];
	v23 =	vmul.f32 v25, v23  }
0x13a: {  	v25 =	vmul.f32 v38, v36;
	v27 =	vmul.f32 v32, v31;
	v62 =	vld [tilespmem:s24+$0xC510]  }
0x13b: {  	v30 =	vmul.f32 v43, v40;
	v31 =	vmul.f32 v39, v37;
	v63 =	vld [tilespmem:s24+$0xC590]  }
0x13c: {  	v47 =	vmul.f32 v49, v47;
	v49 =	vmul.f32 v44, v41;
	v55 =	vld [tilespmem:s24+$0xC520]  }
0x13d: {  	v57 =	vld [tilespmem:s24+$0xC5A0];
	v56 =	vmul.f32 v53, v52;
	v26 =	vmul.f32 v26, v54  }
0x13e: {  	v58 =	vmul.f32 v50, v48;
	v59 =	vld [tilespmem:s24+$0xC530];
	v22 =	vmul.f32 v61, v51  }
0x13f: {  	v60 =	vmul.f32 v45, v42;
	v28 =	vmul.f32 v62, v46;
	v61 =	vld [tilespmem:s24+$0xC5B0];
	v26 =	vadd.f32 v26, v56  }
0x140: {  	v33 =	vmul.f32 v34, v33;
	v62 =	vld [tilespmem:s24+$0xC540];
	v32 =	vmul.f32 v63, v35;
	v22 =	vadd.f32 v22, v58  }
0x141: {  	v29 =	vmul.f32 v55, v29;
	v63 =	vld [tilespmem:s24+$0xC5C0];
	v28 =	vadd.f32 v28, v60;
	v26 =	vadd.f32 v47, v26  }
0x142: {  	v36 =	vld [tilespmem:s24+$0xC550];
	v24 =	vmul.f32 v57, v24;
	v32 =	vadd.f32 v32, v33;
	v22 =	vadd.f32 v49, v22  }
0x143: {  	v37 =	vld [tilespmem:s24+$0xC5D0];
	v19 =	vmul.f32 v59, v19;
	v28 =	vadd.f32 v29, v28;
	v26 =	vadd.f32 v30, v26  }
0x144: {  	v38 =	vld [tilespmem:s24+$0xC560];
	v24 =	vadd.f32 v24, v32;
	v15 =	vmul.f32 v61, v15;
	v22 =	vadd.f32 v31, v22  }
0x145: {  	v39 =	vld [tilespmem:s24+$0xC5E0];
	v14 =	vmul.f32 v62, v14;
	v19 =	vadd.f32 v19, v28;
	v25 =	vadd.f32 v25, v26  }
0x146: {  	v40 =	vld [tilespmem:s24+$0xC570];
	v13 =	vmul.f32 v63, v13;
	v15 =	vadd.f32 v15, v24;
	v22 =	vadd.f32 v27, v22  }
0x147: {  	v41 =	vld [tilespmem:s24+$0xC5F0];
	v12 =	vmul.f32 v36, v12;
	v14 =	vadd.f32 v14, v19;
	v17 =	vadd.f32 v17, v25  }
0x148: {  	v11 =	vmul.f32 v37, v11;
	v13 =	vadd.f32 v13, v15;
	v22 =	vadd.f32 v23, v22  }
0x149: {  	v10 =	vmul.f32 v38, v10;
	v12 =	vadd.f32 v12, v14;
	v42 =	vadd.f32 v21, v17  }
0x14a: {  	v7 =	vmul.f32 v39, v7;
	v11 =	vadd.f32 v11, v13;
	v43 =	vadd.f32 v16, v22  }
0x14b: {  	v8 =	vmul.f32 v40, v8;
	v10 =	vadd.f32 v10, v12;
	v44 =	vadd.f32 v20, v42  }
0x14c: {  	v6 =	vmul.f32 v41, v6;
	v7 =	vadd.f32 v7, v11;
	v45 =	vadd.f32 v18, v43  }
0x14d: {  	v8 =	vadd.f32 v8, v10;
	v46 =	vperm.xlane v44, v0  }
0x14e: {  	v6 =	vadd.f32 v6, v7;
	v47 =	vperm.xlane v45, v0  }
0x14f: {  	v48 =	vperm.xlane v8, v0;
	v7 =	vadd.f32 v44, v46  }
0x150: {  	v49 =	vperm.xlane v6, v0;
	v10 =	vadd.f32 v45, v47  }
0x151: {  	v8 =	vadd.f32 v8, v48;
	v13 =	vperm.xlane v7, v1  }
0x152: {  	v6 =	vadd.f32 v6, v49;
	v50 =	vperm.xlane v10, v1  }
0x153: {  	v51 =	vperm.xlane v8, v1;
	v7 =	vadd.f32 v7, v13  }
0x154: {  	v52 =	vperm.xlane v6, v1;
	v10 =	vadd.f32 v10, v50  }
0x155: {  	v8 =	vadd.f32 v8, v51;
	v13 =	vperm.xlane v7, v2  }
0x156: {  	v6 =	vadd.f32 v6, v52;
	v53 =	vperm.xlane v10, v2  }
0x157: {  	v54 =	vperm.xlane v8, v2;
	v7 =	vadd.f32 v7, v13  }
0x158: {  	v55 =	vmov s25;
	v56 =	vperm.xlane v6, v2;
	v10 =	vadd.f32 v10, v53  }
0x159: {  	s1 =	sadd.s32 $0x3, s25;
	vm0 =	veq.s32 v55, v4;
	v8 =	vadd.f32 v8, v54;
	v57 =	vperm.xlane v7, v3  }
0x15a: {  	s29 =	sadd.s32 $0x2, s25;
	v58 =	vmov s1;
	v6 =	vadd.f32 v6, v56;
	v59 =	vperm.xlane v10, v3  }
0x15b: {  	s30 =	sadd.s32 $0x1, s25;
	s31 =	sshll.u32 s23, $0x4;
	s23 =	sadd.s32 $0x1, s23;
	v60 =	vmov s29;
	v61 =	vperm.xlane v8, v3;
	v7 =	vadd.f32 v7, v57  }
0x15c: {  	p1 =	sne.s32 s23, $0x8;
	v62 =	vmov s30;
	v63 =	vperm.xlane v6, v3;
	v10 =	vadd.f32 v10, v59  }
.Ltmp3:
0x15d: {  	vm13 =	veq.s32 v62, v4;
	v8 =	vadd.f32 v8, v61;
	v7 =	vsel vm0, v7, v9;
	(pc) =	sbr.rel @p1 .LBB2_7-.Ltmp3, $4  }
0x15e: {  	vm14 =	veq.s32 v60, v4;
	v6 =	vadd.f32 v6, v63;
	v7 =	vsel vm13, v10, v7  }
0x15f: {  	vm15 =	veq.s32 v58, v4;
	v7 =	vsel vm14, v8, v7  }
0x160: {  	s1 =	sand.u32 $0x3FFFFFF0, s31;
	v6 =	vsel vm15, v6, v7  }
0x161: {  	s22 =	sadd.s32 $0x2000, s22;
	[tilespmem:v5+s1+$0x0 ss:$0x1] =	vst.idx.msk $0xffff, v6  }
.Ltmp4:
0x162: {  	(pc) =	sbr.rel @p0 .LBB2_2-.Ltmp4, $3  }
0x163: {  	_ =	sdelay $0x1  }
0x164: {  	s22 =	simm.s32 $0x400  }
0x165: {  	p1 =	por $0x0, $0x0;
	s23 =	simm.s32 $0x380;
	s24 =	simm.s32 $0x180  }
0x166: {  	s21 =	sadd.s32 $0x1, s21  }
0x167: {  	p0 =	sne.s32 s21, s8  }
.Ltmp5:
0x168: {  	_ = 	snop;
	(pc) =	sbr.rel @p0 .LBB2_1-.Ltmp5, $4  }
0x169: {  	[hbm4b:s7+s3] =	stream.linear.scatter [tilespmem:s20], [sflag:$0x5], $0x200, $0x38;
	[tilespmem:$0x10600] =	vst v63  }
0x16a: {  	_ =	swait.ge [sflag:s9], $0x200  }
0x16b: {  	[sflag:s9] =	ssyncset.done $0x0  }
0x16c: {  	[sflag:s9] =	ssyncadd.s32 $0xFFFFFE00  }
0x16d: {  	_ =	sfence.sel $0x180000  }
0x16e: {  	[bflag:$0x0] =	sbarrier.arrive $0xFFFF  }
0x16f: {  	_ =	strace $0x90000047  }
0x170: {  	[bflag:$0x2] =	sbarrier.arrive $0xFFFF  }
0x171: {  	p0 =	sne.s32 s4, $0x0;
	s0 =	rddreg [dreg:$0x5]  }
0x172: {  	s0 =	sadd.s32 @!p0 $0x100000, s0  }
0x173: {  	[sflag:s0] =	ssyncadd.tile.s32 @!p0 $0x1;
	_ =	shalt  }
.Lfunc_end2:
_tile_overlayer_lowered:
.L_overlay_start_2:
0x174: {  	(tag) =	ssettag $0x2  }
0x175: {  	s0 =	rddreg [dreg:$0x0];
	s2 =	stileid.u32  }
0x176: {  	s1 =	rddreg [dreg:$0x1];
	p0 =	sne.s32 s2, $0x0  }
0x177: {  	s3 =	rddreg [dreg:$0x2];
	[bflag:$0x3] =	sbarrier.arrive $0xFFFF;
	s2 =	simm.s32 @!p0 $0x1C05  }
0x178: {  	[timem:s3], [sflag:s2] =	dma.local @!p0 [hbm:s0], s1  }
0x179: {  	s0 =	simm.s32 @!p0 $0x5  }
0x17a: {  	_ =	swait.ge @!p0 [sflag:s0], s1  }
0x17b: {  	s1 =	ssub.s32 @!p0 $0x0, s1;
	[sflag:s0] =	ssyncset.done @!p0 $0x0  }
0x17c: {  	[sflag:s0] =	ssyncadd.s32 @!p0 s1  }
0x17d: {  	[bflag:$0x3] =	sbarrier.arrive $0xFFFF  }
0x17e: {  	_ =	shalt  }

</sc_bundles>
